<compile_context>
chip_gen: v7x
topology: tpu7x:2x2x1
jax: 0.10.2.dev20260603
libtpu: 0.0.44.dev20260713+nightly
codegen_flags: <defaults>
</compile_context>

<pallas_src>
import functools

import jax
import jax.numpy as jnp
from jax import lax
from jax.experimental import pallas as pl
from jax.experimental.pallas import tpu as pltpu
from jax.experimental.pallas import tpu_sc as plsc

N = 8192
K = 8192
D = 32
TN = 256
TKC = 128
NT = N // TN
KC = K // TKC
E2CHUNK = 1024


def _dist_body(e_ref, ebf_ref, ftm2_ref, ftbf_ref, minv_ref, mini_ref,
               e2_ref):
    n = pl.program_id(0)

    @pl.when(n == 0)
    def _():
        for jj in range(K // E2CHUNK):
            ej = e_ref[jj * E2CHUNK:(jj + 1) * E2CHUNK, :]
            e2j = jnp.sum(ej * ej, axis=1, keepdims=True)
            e2_ref[jj * E2CHUNK:(jj + 1) * E2CHUNK, :] = jnp.broadcast_to(
                e2j, (E2CHUNK, TN))

    ftm2 = ftm2_ref[...]
    ftbf = ftbf_ref[...]
    x2 = 0.25 * jnp.sum(ftm2 * ftm2, axis=0, keepdims=True)

    mv = jnp.full((TKC, TN), jnp.inf, dtype=jnp.float32)
    mc = jnp.zeros((TKC, TN), dtype=jnp.int32)
    for j in range(KC):
        ebf = ebf_ref[j * TKC:(j + 1) * TKC, :]
        prod = lax.dot_general(ebf, ftbf, (((1,), (0,)), ((), ())),
                               preferred_element_type=jnp.float32)
        t = e2_ref[j * TKC:(j + 1) * TKC, :] + x2
        s = t + prod
        mv, mc = jnp.minimum(s, mv), jnp.where(s < mv, j, mc)

    idx = mc * TKC + lax.broadcasted_iota(jnp.int32, (TKC, TN), 0)
    m = jnp.min(mv, axis=0, keepdims=True)
    targ = jnp.min(jnp.where(mv == m, idx, K), axis=0, keepdims=True)
    minv_ref[0] = jnp.maximum(m, 0.0)
    mini_ref[0] = targ


def _dist_argmin(e, ftm2):
    ebf = e.astype(jnp.bfloat16)
    ftbf = ftm2.astype(jnp.bfloat16)
    minv, mini = pl.pallas_call(
        _dist_body,
        grid=(NT,),
        in_specs=[
            pl.BlockSpec((K, D), lambda n: (0, 0)),
            pl.BlockSpec((K, D), lambda n: (0, 0)),
            pl.BlockSpec((D, TN), lambda n: (0, n)),
            pl.BlockSpec((D, TN), lambda n: (0, n)),
        ],
        out_specs=[
            pl.BlockSpec((1, 1, TN), lambda n: (n, 0, 0)),
            pl.BlockSpec((1, 1, TN), lambda n: (n, 0, 0)),
        ],
        out_shape=[
            jax.ShapeDtypeStruct((NT, 1, TN), jnp.float32),
            jax.ShapeDtypeStruct((NT, 1, TN), jnp.int32),
        ],
        scratch_shapes=[pltpu.VMEM((K, TN), jnp.float32)],
    )(e, ebf, ftm2, ftbf)
    return minv.reshape(N), mini.reshape(N)


_SC_INFO = plsc.get_sparse_core_info()
_NW = _SC_INFO.num_cores * _SC_INFO.num_subcores
_BPW = N // _NW


@functools.partial(
    pl.kernel,
    mesh=plsc.VectorSubcoreMesh(core_axis_name="c", subcore_axis_name="s"),
    out_type=jax.ShapeDtypeStruct((N, D), jnp.float32),
    scratch_types=[
        pltpu.VMEM((_BPW,), jnp.int32),
        pltpu.VMEM((_BPW, D), jnp.float32),
        pltpu.SemaphoreType.DMA,
    ],
    compiler_params=pltpu.CompilerParams(use_tc_tiling_on_sc=False),
)
def _sc_gather(table_hbm, idx_hbm, out_hbm, idx_v, rows_v, sem):
    wid = lax.axis_index("s") * _SC_INFO.num_cores + lax.axis_index("c")
    base = wid * _BPW
    pltpu.sync_copy(idx_hbm.at[pl.ds(base, _BPW)], idx_v)
    pltpu.async_copy(table_hbm.at[idx_v], rows_v, sem).wait()
    pltpu.sync_copy(rows_v, out_hbm.at[pl.ds(base, _BPW)])


def kernel(x, embed):
    x = x.astype(jnp.float32)
    f = x.reshape(N, D)
    e = embed.reshape(K, D).astype(jnp.float32)
    ftm2 = -2.0 * f.T
    minv, mini = _dist_argmin(e, ftm2)
    table = e.astype(jnp.bfloat16).astype(jnp.float32)
    quantize = _sc_gather(table, mini)
    return quantize, mini.reshape(1, N), minv.reshape(1, N)

# --- scband reference (transcript-rebuilt; emitter-appended) ---
"""Pipeline reference for scband-euclidean-codebook-44856638440088 (READ-ONLY COPY).

The authoritative reference and input builder live on the scoring server;
editing this copy changes nothing except your own understanding.
"""

import jax, jax.numpy as jnp
import numpy as np

B, HW, D = 8, 1024, 32
K = 8192

def setup_inputs(seed: int = 0) -> dict:
    key = jax.random.key(seed)
    k1, k2 = jax.random.split(key)
    x = jax.random.normal(k1, (B, HW, D), dtype=jnp.float32)
    # learned codebook (embed param), kaiming-uniform-like init: U(-b, b), b = sqrt(1/fan_in)
    bound = float(np.sqrt(1.0 / D))
    embed = jax.random.uniform(k2, (1, K, D), dtype=jnp.float32, minval=-bound, maxval=bound)
    return {"x": x, "embed": embed}

def reference(x, embed):
    # faithful translation of EuclideanCodebook.forward (inference path, mode=None)
    x = x.astype(jnp.float32)
    if x.ndim < 4:
        x = x[None, ...]  # rearrange '... -> 1 ...'
    flatten = x.reshape(x.shape[0], -1, x.shape[-1])  # [1, N, D]
    f = flatten[0]        # squeeze(0) -> [N, D]
    e = embed[0]          # squeeze(0) -> [K, D]
    # torch.cdist(f, e, p=2).pow(2) == squared euclidean distances
    d2 = jnp.sum(f * f, axis=-1, keepdims=True) + jnp.sum(e * e, axis=-1)[None, :] - 2.0 * (f @ e.T)
    d2 = jnp.maximum(d2, 0.0)
    dist = d2[None, ...]  # unsqueeze(0) -> [1, N, K]
    min_dists_sq = jnp.min(dist, axis=-1)
    embed_ind_hard = jnp.argmin(dist, axis=-1)  # [1, N]
    # one-hot quantization: F.one_hot(...).float(); einsum('bk,kd->bd')
    onehot = jax.nn.one_hot(embed_ind_hard, K, dtype=jnp.float32)[0]  # [N, K]
    quantize = jnp.einsum('bk,kd->bd', onehot, e)  # [N, D]
    embed_ind = embed_ind_hard
    return quantize, embed_ind, min_dists_sq

if __name__ == "__main__":
    import jax
    _d = setup_inputs()
    print(jax.jit(kernel)(*tuple(_d.values())))

</pallas_src>

<mosaic_0001>
#map = affine_map<(d0, d1) -> (0, 0)>
#map1 = affine_map<(d0, d1) -> (0)>
module attributes {stable_mosaic.version = 14 : i64} {
  func.func @_sc_gather(%arg0: i32, %arg1: i32, %arg2: memref<8192x32xf32, #tpu.memory_space<hbm>>, %arg3: memref<8192xi32, #tpu.memory_space<hbm>>, %arg4: memref<8192x32xf32, #tpu.memory_space<hbm>>, %arg5: memref<256xi32, #tpu.memory_space<vmem>>, %arg6: memref<256x32xf32, #tpu.memory_space<vmem>>, %arg7: memref<!tpu.dma_semaphore, #tpu.memory_space<semaphore_mem>>) attributes {dimension_semantics = [#tpu.dimension_semantics<core_parallel>, #tpu.dimension_semantics<subcore_parallel>], iteration_bounds = array<i64: 2, 16>, scalar_prefetch = 0 : i64, scratch_operands = 3 : i64, tpu.core_type = #tpu.core_type<sc_vector_subcore>, window_params = [{transform_indices = #map}, {transform_indices = #map1}, {transform_indices = #map}]} {
    %mul3A = arith.constant 2 : i32
    %mul3A_0 = arith.muli %arg1, %mul3A : i32
    %add3A = arith.addi %mul3A_0, %arg0 : i32
    %mul3A_1 = arith.constant 256 : i32
    %mul3A_2 = arith.muli %add3A, %mul3A_1 : i32
    "tpu.region"() ({
      %run_scoped3A = tpu.sem_alloc : memref<!tpu.dma_semaphore, #tpu.memory_space<semaphore_mem>>
      %dma_start3A_7 = tpu.memref_slice %arg3[%mul3A_2] : memref<8192xi32, #tpu.memory_space<hbm>> -> memref<256xi32, #tpu.memory_space<hbm>>
      %dma_start3A_8 = tpu.memref_slice %arg3[%mul3A_2] : memref<8192xi32, #tpu.memory_space<hbm>> -> memref<256xi32, #tpu.memory_space<hbm>>
      tpu.enqueue_dma source(%dma_start3A_8 : memref<256xi32, #tpu.memory_space<hbm>>) target(%arg5 : memref<256xi32, #tpu.memory_space<vmem>>) target_semaphore(%run_scoped3A : memref<!tpu.dma_semaphore, #tpu.memory_space<semaphore_mem>>)
      %dma_wait3A_9 = tpu.memref_slice %arg3[%mul3A_2] : memref<8192xi32, #tpu.memory_space<hbm>> -> memref<256xi32, #tpu.memory_space<hbm>>
      %dma_wait3A_10 = tpu.memref_slice %arg3[%mul3A_2] : memref<8192xi32, #tpu.memory_space<hbm>> -> memref<256xi32, #tpu.memory_space<hbm>>
      tpu.wait_dma2 semaphore(%run_scoped3A : memref<!tpu.dma_semaphore, #tpu.memory_space<semaphore_mem>>) src(%dma_wait3A_10 : memref<256xi32, #tpu.memory_space<hbm>>) dst(%arg5 : memref<256xi32, #tpu.memory_space<vmem>>)
      tpu.yield
    }) : () -> ()
    %dma_start3A = arith.constant 0 : i32
    %dma_start3A_3 = arith.constant 0 : i32
    %dma_start3A_4 = tpu.memref_slice %arg2[%dma_start3A, %dma_start3A_3] : memref<8192x32xf32, #tpu.memory_space<hbm>> -> memref<8192x32xf32, #tpu.memory_space<hbm>>
    tpu.enqueue_indirect_dma source(%dma_start3A_4 : memref<8192x32xf32, #tpu.memory_space<hbm>>) target(%arg6 : memref<256x32xf32, #tpu.memory_space<vmem>>) offsets(%arg5 : memref<256xi32, #tpu.memory_space<vmem>>) semaphore(%arg7 : memref<!tpu.dma_semaphore, #tpu.memory_space<semaphore_mem>>)
    %dma_wait3A = arith.constant 0 : i32
    %dma_wait3A_5 = arith.constant 0 : i32
    %dma_wait3A_6 = tpu.memref_slice %arg2[%dma_wait3A, %dma_wait3A_5] : memref<8192x32xf32, #tpu.memory_space<hbm>> -> memref<8192x32xf32, #tpu.memory_space<hbm>>
    tpu.wait_indirect_dma semaphore(%arg7 : memref<!tpu.dma_semaphore, #tpu.memory_space<semaphore_mem>>) src(%dma_wait3A_6 : memref<8192x32xf32, #tpu.memory_space<hbm>>) dst(%arg6 : memref<256x32xf32, #tpu.memory_space<vmem>>)
    "tpu.region"() ({
      %run_scoped3A = tpu.sem_alloc : memref<!tpu.dma_semaphore, #tpu.memory_space<semaphore_mem>>
      %dma_start3A_7 = arith.constant 0 : i32
      %dma_start3A_8 = tpu.memref_slice %arg4[%mul3A_2, %dma_start3A_7] : memref<8192x32xf32, #tpu.memory_space<hbm>> -> memref<256x32xf32, #tpu.memory_space<hbm>>
      %dma_start3A_9 = arith.constant 0 : i32
      %dma_start3A_10 = tpu.memref_slice %arg4[%mul3A_2, %dma_start3A_9] : memref<8192x32xf32, #tpu.memory_space<hbm>> -> memref<256x32xf32, #tpu.memory_space<hbm>>
      tpu.enqueue_dma source(%arg6 : memref<256x32xf32, #tpu.memory_space<vmem>>) target(%dma_start3A_10 : memref<256x32xf32, #tpu.memory_space<hbm>>) target_semaphore(%run_scoped3A : memref<!tpu.dma_semaphore, #tpu.memory_space<semaphore_mem>>)
      %dma_wait3A_11 = arith.constant 0 : i32
      %dma_wait3A_12 = tpu.memref_slice %arg4[%mul3A_2, %dma_wait3A_11] : memref<8192x32xf32, #tpu.memory_space<hbm>> -> memref<256x32xf32, #tpu.memory_space<hbm>>
      %dma_wait3A_13 = arith.constant 0 : i32
      %dma_wait3A_14 = tpu.memref_slice %arg4[%mul3A_2, %dma_wait3A_13] : memref<8192x32xf32, #tpu.memory_space<hbm>> -> memref<256x32xf32, #tpu.memory_space<hbm>>
      tpu.wait_dma2 semaphore(%run_scoped3A : memref<!tpu.dma_semaphore, #tpu.memory_space<semaphore_mem>>) src(%arg6 : memref<256x32xf32, #tpu.memory_space<vmem>>) dst(%dma_wait3A_14 : memref<256x32xf32, #tpu.memory_space<hbm>>)
      tpu.yield
    }) : () -> ()
    return
  }
}

module attributes {stable_mosaic.version = 14 : i64} {
  func.func @_dist_body(%arg0: i32, %arg1: memref<8192x32xf32, #tpu.memory_space<vmem>>, %arg2: memref<8192x32xbf16, #tpu.memory_space<vmem>>, %arg3: memref<32x256xf32, #tpu.memory_space<vmem>>, %arg4: memref<32x256xbf16, #tpu.memory_space<vmem>>, %arg5: memref<1x1x256xf32, #tpu.memory_space<vmem>>, %arg6: memref<1x1x256xi32, #tpu.memory_space<vmem>>, %arg7: memref<8192x256xf32, #tpu.memory_space<vmem>>) attributes {dimension_semantics = [#tpu.dimension_semantics<arbitrary>], iteration_bounds = array<i64: 32>, scalar_prefetch = 0 : i64, scratch_operands = 1 : i64, tpu.core_type = #tpu.core_type<tc>, window_params = [{pipeline_mode = #tpu.pipeline_mode<synchronous>, transform_indices = @transform_0, window_bounds = array<i64: 8192, 32>}, {pipeline_mode = #tpu.pipeline_mode<synchronous>, transform_indices = @transform_1, window_bounds = array<i64: 8192, 32>}, {transform_indices = @transform_2, window_bounds = array<i64: 32, 256>}, {transform_indices = @transform_3, window_bounds = array<i64: 32, 256>}, {transform_indices = @transform_4, window_bounds = array<i64: 1, 1, 256>}, {transform_indices = @transform_5, window_bounds = array<i64: 1, 1, 256>}]} {
    %eq3A = arith.constant 0 : i32
    %eq3A_0 = arith.cmpi eq, %arg0, %eq3A : i32
    %convert_element_type3A = arith.extui %eq3A_0 : i1 to i32
    %cond3A = arith.constant 0 : i32
    %cond3A_1 = arith.cmpi ne, %convert_element_type3A, %cond3A : i32
    scf.if %cond3A_1 {
      %get3A_1060 = arith.constant 0 : index
      %get3A_1061 = arith.constant 0 : index
      %get3A_1062 = vector.load %arg1[%get3A_1060, %get3A_1061] : memref<8192x32xf32, #tpu.memory_space<vmem>>, vector<1024x32xf32>
      %mul3A_1063 = arith.mulf %get3A_1062, %get3A_1062 : vector<1024x32xf32>
      %reduce_sum3A_1064 = arith.constant dense<0.000000e+00> : vector<1024xf32>
      %reduce_sum3A_1065 = vector.multi_reduction <add>, %mul3A_1063, %reduce_sum3A_1064 [1] : vector<1024x32xf32> to vector<1024xf32>
      %broadcast_in_dim3A_1066 = vector.shape_cast %reduce_sum3A_1065 : vector<1024xf32> to vector<1024x1xf32>
      %broadcast_in_dim3A_1067 = vector.shape_cast %broadcast_in_dim3A_1066 : vector<1024x1xf32> to vector<1024x1xf32>
      %broadcast_in_dim3A_1068 = vector.broadcast %broadcast_in_dim3A_1067 : vector<1024x1xf32> to vector<1024x256xf32>
      %swap3A_1069 = arith.constant 0 : index
      %swap3A_1070 = arith.constant 0 : index
      %swap3A_1071 = vector.load %arg7[%swap3A_1069, %swap3A_1070] : memref<8192x256xf32, #tpu.memory_space<vmem>>, vector<1024x256xf32>
      tpu.vector_store %arg7[%swap3A_1069, %swap3A_1070], %broadcast_in_dim3A_1068 {strides = array<i32>} : memref<8192x256xf32, #tpu.memory_space<vmem>>, vector<1024x256xf32>,
      %get3A_1072 = arith.constant 1024 : index
      %get3A_1073 = arith.constant 0 : index
      %get3A_1074 = vector.load %arg1[%get3A_1072, %get3A_1073] : memref<8192x32xf32, #tpu.memory_space<vmem>>, vector<1024x32xf32>
      %mul3A_1075 = arith.mulf %get3A_1074, %get3A_1074 : vector<1024x32xf32>
      %reduce_sum3A_1076 = arith.constant dense<0.000000e+00> : vector<1024xf32>
      %reduce_sum3A_1077 = vector.multi_reduction <add>, %mul3A_1075, %reduce_sum3A_1076 [1] : vector<1024x32xf32> to vector<1024xf32>
      %broadcast_in_dim3A_1078 = vector.shape_cast %reduce_sum3A_1077 : vector<1024xf32> to vector<1024x1xf32>
      %broadcast_in_dim3A_1079 = vector.shape_cast %broadcast_in_dim3A_1078 : vector<1024x1xf32> to vector<1024x1xf32>
      %broadcast_in_dim3A_1080 = vector.broadcast %broadcast_in_dim3A_1079 : vector<1024x1xf32> to vector<1024x256xf32>
      %swap3A_1081 = arith.constant 1024 : index
      %swap3A_1082 = arith.constant 0 : index
      %swap3A_1083 = vector.load %arg7[%swap3A_1081, %swap3A_1082] : memref<8192x256xf32, #tpu.memory_space<vmem>>, vector<1024x256xf32>
      tpu.vector_store %arg7[%swap3A_1081, %swap3A_1082], %broadcast_in_dim3A_1080 {strides = array<i32>} : memref<8192x256xf32, #tpu.memory_space<vmem>>, vector<1024x256xf32>,
      %get3A_1084 = arith.constant 2048 : index
      %get3A_1085 = arith.constant 0 : index
      %get3A_1086 = vector.load %arg1[%get3A_1084, %get3A_1085] : memref<8192x32xf32, #tpu.memory_space<vmem>>, vector<1024x32xf32>
      %mul3A_1087 = arith.mulf %get3A_1086, %get3A_1086 : vector<1024x32xf32>
      %reduce_sum3A_1088 = arith.constant dense<0.000000e+00> : vector<1024xf32>
      %reduce_sum3A_1089 = vector.multi_reduction <add>, %mul3A_1087, %reduce_sum3A_1088 [1] : vector<1024x32xf32> to vector<1024xf32>
      %broadcast_in_dim3A_1090 = vector.shape_cast %reduce_sum3A_1089 : vector<1024xf32> to vector<1024x1xf32>
      %broadcast_in_dim3A_1091 = vector.shape_cast %broadcast_in_dim3A_1090 : vector<1024x1xf32> to vector<1024x1xf32>
      %broadcast_in_dim3A_1092 = vector.broadcast %broadcast_in_dim3A_1091 : vector<1024x1xf32> to vector<1024x256xf32>
      %swap3A_1093 = arith.constant 2048 : index
      %swap3A_1094 = arith.constant 0 : index
      %swap3A_1095 = vector.load %arg7[%swap3A_1093, %swap3A_1094] : memref<8192x256xf32, #tpu.memory_space<vmem>>, vector<1024x256xf32>
      tpu.vector_store %arg7[%swap3A_1093, %swap3A_1094], %broadcast_in_dim3A_1092 {strides = array<i32>} : memref<8192x256xf32, #tpu.memory_space<vmem>>, vector<1024x256xf32>,
      %get3A_1096 = arith.constant 3072 : index
      %get3A_1097 = arith.constant 0 : index
      %get3A_1098 = vector.load %arg1[%get3A_1096, %get3A_1097] : memref<8192x32xf32, #tpu.memory_space<vmem>>, vector<1024x32xf32>
      %mul3A_1099 = arith.mulf %get3A_1098, %get3A_1098 : vector<1024x32xf32>
      %reduce_sum3A_1100 = arith.constant dense<0.000000e+00> : vector<1024xf32>
      %reduce_sum3A_1101 = vector.multi_reduction <add>, %mul3A_1099, %reduce_sum3A_1100 [1] : vector<1024x32xf32> to vector<1024xf32>
      %broadcast_in_dim3A_1102 = vector.shape_cast %reduce_sum3A_1101 : vector<1024xf32> to vector<1024x1xf32>
      %broadcast_in_dim3A_1103 = vector.shape_cast %broadcast_in_dim3A_1102 : vector<1024x1xf32> to vector<1024x1xf32>
      %broadcast_in_dim3A_1104 = vector.broadcast %broadcast_in_dim3A_1103 : vector<1024x1xf32> to vector<1024x256xf32>
      %swap3A_1105 = arith.constant 3072 : index
      %swap3A_1106 = arith.constant 0 : index
      %swap3A_1107 = vector.load %arg7[%swap3A_1105, %swap3A_1106] : memref<8192x256xf32, #tpu.memory_space<vmem>>, vector<1024x256xf32>
      tpu.vector_store %arg7[%swap3A_1105, %swap3A_1106], %broadcast_in_dim3A_1104 {strides = array<i32>} : memref<8192x256xf32, #tpu.memory_space<vmem>>, vector<1024x256xf32>,
      %get3A_1108 = arith.constant 4096 : index
      %get3A_1109 = arith.constant 0 : index
      %get3A_1110 = vector.load %arg1[%get3A_1108, %get3A_1109] : memref<8192x32xf32, #tpu.memory_space<vmem>>, vector<1024x32xf32>
      %mul3A_1111 = arith.mulf %get3A_1110, %get3A_1110 : vector<1024x32xf32>
      %reduce_sum3A_1112 = arith.constant dense<0.000000e+00> : vector<1024xf32>
      %reduce_sum3A_1113 = vector.multi_reduction <add>, %mul3A_1111, %reduce_sum3A_1112 [1] : vector<1024x32xf32> to vector<1024xf32>
      %broadcast_in_dim3A_1114 = vector.shape_cast %reduce_sum3A_1113 : vector<1024xf32> to vector<1024x1xf32>
      %broadcast_in_dim3A_1115 = vector.shape_cast %broadcast_in_dim3A_1114 : vector<1024x1xf32> to vector<1024x1xf32>
      %broadcast_in_dim3A_1116 = vector.broadcast %broadcast_in_dim3A_1115 : vector<1024x1xf32> to vector<1024x256xf32>
      %swap3A_1117 = arith.constant 4096 : index
      %swap3A_1118 = arith.constant 0 : index
      %swap3A_1119 = vector.load %arg7[%swap3A_1117, %swap3A_1118] : memref<8192x256xf32, #tpu.memory_space<vmem>>, vector<1024x256xf32>
      tpu.vector_store %arg7[%swap3A_1117, %swap3A_1118], %broadcast_in_dim3A_1116 {strides = array<i32>} : memref<8192x256xf32, #tpu.memory_space<vmem>>, vector<1024x256xf32>,
      %get3A_1120 = arith.constant 5120 : index
      %get3A_1121 = arith.constant 0 : index
      %get3A_1122 = vector.load %arg1[%get3A_1120, %get3A_1121] : memref<8192x32xf32, #tpu.memory_space<vmem>>, vector<1024x32xf32>
      %mul3A_1123 = arith.mulf %get3A_1122, %get3A_1122 : vector<1024x32xf32>
      %reduce_sum3A_1124 = arith.constant dense<0.000000e+00> : vector<1024xf32>
      %reduce_sum3A_1125 = vector.multi_reduction <add>, %mul3A_1123, %reduce_sum3A_1124 [1] : vector<1024x32xf32> to vector<1024xf32>
      %broadcast_in_dim3A_1126 = vector.shape_cast %reduce_sum3A_1125 : vector<1024xf32> to vector<1024x1xf32>
      %broadcast_in_dim3A_1127 = vector.shape_cast %broadcast_in_dim3A_1126 : vector<1024x1xf32> to vector<1024x1xf32>
      %broadcast_in_dim3A_1128 = vector.broadcast %broadcast_in_dim3A_1127 : vector<1024x1xf32> to vector<1024x256xf32>
      %swap3A_1129 = arith.constant 5120 : index
      %swap3A_1130 = arith.constant 0 : index
      %swap3A_1131 = vector.load %arg7[%swap3A_1129, %swap3A_1130] : memref<8192x256xf32, #tpu.memory_space<vmem>>, vector<1024x256xf32>
      tpu.vector_store %arg7[%swap3A_1129, %swap3A_1130], %broadcast_in_dim3A_1128 {strides = array<i32>} : memref<8192x256xf32, #tpu.memory_space<vmem>>, vector<1024x256xf32>,
      %get3A_1132 = arith.constant 6144 : index
      %get3A_1133 = arith.constant 0 : index
      %get3A_1134 = vector.load %arg1[%get3A_1132, %get3A_1133] : memref<8192x32xf32, #tpu.memory_space<vmem>>, vector<1024x32xf32>
      %mul3A_1135 = arith.mulf %get3A_1134, %get3A_1134 : vector<1024x32xf32>
      %reduce_sum3A_1136 = arith.constant dense<0.000000e+00> : vector<1024xf32>
      %reduce_sum3A_1137 = vector.multi_reduction <add>, %mul3A_1135, %reduce_sum3A_1136 [1] : vector<1024x32xf32> to vector<1024xf32>
      %broadcast_in_dim3A_1138 = vector.shape_cast %reduce_sum3A_1137 : vector<1024xf32> to vector<1024x1xf32>
      %broadcast_in_dim3A_1139 = vector.shape_cast %broadcast_in_dim3A_1138 : vector<1024x1xf32> to vector<1024x1xf32>
      %broadcast_in_dim3A_1140 = vector.broadcast %broadcast_in_dim3A_1139 : vector<1024x1xf32> to vector<1024x256xf32>
      %swap3A_1141 = arith.constant 6144 : index
      %swap3A_1142 = arith.constant 0 : index
      %swap3A_1143 = vector.load %arg7[%swap3A_1141, %swap3A_1142] : memref<8192x256xf32, #tpu.memory_space<vmem>>, vector<1024x256xf32>
      tpu.vector_store %arg7[%swap3A_1141, %swap3A_1142], %broadcast_in_dim3A_1140 {strides = array<i32>} : memref<8192x256xf32, #tpu.memory_space<vmem>>, vector<1024x256xf32>,
      %get3A_1144 = arith.constant 7168 : index
      %get3A_1145 = arith.constant 0 : index
      %get3A_1146 = vector.load %arg1[%get3A_1144, %get3A_1145] : memref<8192x32xf32, #tpu.memory_space<vmem>>, vector<1024x32xf32>
      %mul3A_1147 = arith.mulf %get3A_1146, %get3A_1146 : vector<1024x32xf32>
      %reduce_sum3A_1148 = arith.constant dense<0.000000e+00> : vector<1024xf32>
      %reduce_sum3A_1149 = vector.multi_reduction <add>, %mul3A_1147, %reduce_sum3A_1148 [1] : vector<1024x32xf32> to vector<1024xf32>
      %broadcast_in_dim3A_1150 = vector.shape_cast %reduce_sum3A_1149 : vector<1024xf32> to vector<1024x1xf32>
      %broadcast_in_dim3A_1151 = vector.shape_cast %broadcast_in_dim3A_1150 : vector<1024x1xf32> to vector<1024x1xf32>
      %broadcast_in_dim3A_1152 = vector.broadcast %broadcast_in_dim3A_1151 : vector<1024x1xf32> to vector<1024x256xf32>
      %swap3A_1153 = arith.constant 7168 : index
      %swap3A_1154 = arith.constant 0 : index
      %swap3A_1155 = vector.load %arg7[%swap3A_1153, %swap3A_1154] : memref<8192x256xf32, #tpu.memory_space<vmem>>, vector<1024x256xf32>
      tpu.vector_store %arg7[%swap3A_1153, %swap3A_1154], %broadcast_in_dim3A_1152 {strides = array<i32>} : memref<8192x256xf32, #tpu.memory_space<vmem>>, vector<1024x256xf32>,
    } else {
    }
    %get3A = arith.constant 0 : index
    %get3A_2 = arith.constant 0 : index
    %get3A_3 = vector.load %arg3[%get3A, %get3A_2] : memref<32x256xf32, #tpu.memory_space<vmem>>, vector<32x256xf32>
    %get3A_4 = arith.constant 0 : index
    %get3A_5 = arith.constant 0 : index
    %get3A_6 = vector.load %arg4[%get3A_4, %get3A_5] : memref<32x256xbf16, #tpu.memory_space<vmem>>, vector<32x256xbf16>
    %mul3A = arith.mulf %get3A_3, %get3A_3 : vector<32x256xf32>
    %reduce_sum3A = arith.constant dense<0.000000e+00> : vector<256xf32>
    %reduce_sum3A_7 = vector.multi_reduction <add>, %mul3A, %reduce_sum3A [0] : vector<32x256xf32> to vector<256xf32>
    %broadcast_in_dim3A = vector.shape_cast %reduce_sum3A_7 : vector<256xf32> to vector<1x256xf32>
    %mul3A_8 = arith.constant 2.500000e-01 : f32
    %mul3A_9 = vector.broadcast %mul3A_8 : f32 to vector<1x256xf32>
    %mul3A_10 = arith.mulf %mul3A_9, %broadcast_in_dim3A : vector<1x256xf32>
    %broadcast_in_dim3A_11 = arith.constant 0x7F800000 : f32
    %broadcast_in_dim3A_12 = vector.broadcast %broadcast_in_dim3A_11 : f32 to vector<128x256xf32>
    %broadcast_in_dim3A_13 = arith.constant 0 : i32
    %broadcast_in_dim3A_14 = vector.broadcast %broadcast_in_dim3A_13 : i32 to vector<128x256xi32>
    %get3A_15 = arith.constant 0 : index
    %get3A_16 = arith.constant 0 : index
    %get3A_17 = vector.load %arg2[%get3A_15, %get3A_16] : memref<8192x32xbf16, #tpu.memory_space<vmem>>, vector<128x32xbf16>
    %dot_general3A = arith.constant dense<0.000000e+00> : vector<128x256xf32>
    %dot_general3A_18 = tpu.matmul %get3A_17, %get3A_6, %dot_general3A {dimension_numbers = #tpu.dot_dimension_numbers<[1], [0], [0], [1], [0, 0, 1, 1], [], []>, transpose_lhs_hint = false} : vector<128x32xbf16>, vector<32x256xbf16>, vector<128x256xf32> -> vector<128x256xf32>
    %get3A_19 = arith.constant 0 : index
    %get3A_20 = arith.constant 0 : index
    %get3A_21 = vector.load %arg7[%get3A_19, %get3A_20] : memref<8192x256xf32, #tpu.memory_space<vmem>>, vector<128x256xf32>
    %add3A = vector.broadcast %mul3A_10 : vector<1x256xf32> to vector<128x256xf32>
    %add3A_22 = arith.addf %get3A_21, %add3A : vector<128x256xf32>
    %add3A_23 = arith.addf %add3A_22, %dot_general3A_18 : vector<128x256xf32>
    %min3A = arith.minimumf %add3A_23, %broadcast_in_dim3A_12 : vector<128x256xf32>
    %lt3A = arith.cmpf olt, %add3A_23, %broadcast_in_dim3A_12 : vector<128x256xf32>
    %jit3A = arith.constant 0 : i32
    %broadcast_in_dim3A_24 = vector.broadcast %jit3A : i32 to vector<128x256xi32>
    %select_n3A = arith.select %lt3A, %broadcast_in_dim3A_24, %broadcast_in_dim3A_14 : vector<128x256xi1>, vector<128x256xi32>
    %get3A_25 = arith.constant 128 : index
    %get3A_26 = arith.constant 0 : index
    %get3A_27 = vector.load %arg2[%get3A_25, %get3A_26] : memref<8192x32xbf16, #tpu.memory_space<vmem>>, vector<128x32xbf16>
    %dot_general3A_28 = arith.constant dense<0.000000e+00> : vector<128x256xf32>
    %dot_general3A_29 = tpu.matmul %get3A_27, %get3A_6, %dot_general3A_28 {dimension_numbers = #tpu.dot_dimension_numbers<[1], [0], [0], [1], [0, 0, 1, 1], [], []>, transpose_lhs_hint = false} : vector<128x32xbf16>, vector<32x256xbf16>, vector<128x256xf32> -> vector<128x256xf32>
    %get3A_30 = arith.constant 128 : index
    %get3A_31 = arith.constant 0 : index
    %get3A_32 = vector.load %arg7[%get3A_30, %get3A_31] : memref<8192x256xf32, #tpu.memory_space<vmem>>, vector<128x256xf32>
    %add3A_33 = vector.broadcast %mul3A_10 : vector<1x256xf32> to vector<128x256xf32>
    %add3A_34 = arith.addf %get3A_32, %add3A_33 : vector<128x256xf32>
    %add3A_35 = arith.addf %add3A_34, %dot_general3A_29 : vector<128x256xf32>
    %min3A_36 = arith.minimumf %add3A_35, %min3A : vector<128x256xf32>
    %lt3A_37 = arith.cmpf olt, %add3A_35, %min3A : vector<128x256xf32>
    %jit3A_38 = arith.constant 1 : i32
    %broadcast_in_dim3A_39 = vector.broadcast %jit3A_38 : i32 to vector<128x256xi32>
    %select_n3A_40 = arith.select %lt3A_37, %broadcast_in_dim3A_39, %select_n3A : vector<128x256xi1>, vector<128x256xi32>
    %get3A_41 = arith.constant 256 : index
    %get3A_42 = arith.constant 0 : index
    %get3A_43 = vector.load %arg2[%get3A_41, %get3A_42] : memref<8192x32xbf16, #tpu.memory_space<vmem>>, vector<128x32xbf16>
    %dot_general3A_44 = arith.constant dense<0.000000e+00> : vector<128x256xf32>
    %dot_general3A_45 = tpu.matmul %get3A_43, %get3A_6, %dot_general3A_44 {dimension_numbers = #tpu.dot_dimension_numbers<[1], [0], [0], [1], [0, 0, 1, 1], [], []>, transpose_lhs_hint = false} : vector<128x32xbf16>, vector<32x256xbf16>, vector<128x256xf32> -> vector<128x256xf32>
    %get3A_46 = arith.constant 256 : index
    %get3A_47 = arith.constant 0 : index
    %get3A_48 = vector.load %arg7[%get3A_46, %get3A_47] : memref<8192x256xf32, #tpu.memory_space<vmem>>, vector<128x256xf32>
    %add3A_49 = vector.broadcast %mul3A_10 : vector<1x256xf32> to vector<128x256xf32>
    %add3A_50 = arith.addf %get3A_48, %add3A_49 : vector<128x256xf32>
    %add3A_51 = arith.addf %add3A_50, %dot_general3A_45 : vector<128x256xf32>
    %min3A_52 = arith.minimumf %add3A_51, %min3A_36 : vector<128x256xf32>
    %lt3A_53 = arith.cmpf olt, %add3A_51, %min3A_36 : vector<128x256xf32>
    %jit3A_54 = arith.constant 2 : i32
    %broadcast_in_dim3A_55 = vector.broadcast %jit3A_54 : i32 to vector<128x256xi32>
    %select_n3A_56 = arith.select %lt3A_53, %broadcast_in_dim3A_55, %select_n3A_40 : vector<128x256xi1>, vector<128x256xi32>
    %get3A_57 = arith.constant 384 : index
    %get3A_58 = arith.constant 0 : index
    %get3A_59 = vector.load %arg2[%get3A_57, %get3A_58] : memref<8192x32xbf16, #tpu.memory_space<vmem>>, vector<128x32xbf16>
    %dot_general3A_60 = arith.constant dense<0.000000e+00> : vector<128x256xf32>
    %dot_general3A_61 = tpu.matmul %get3A_59, %get3A_6, %dot_general3A_60 {dimension_numbers = #tpu.dot_dimension_numbers<[1], [0], [0], [1], [0, 0, 1, 1], [], []>, transpose_lhs_hint = false} : vector<128x32xbf16>, vector<32x256xbf16>, vector<128x256xf32> -> vector<128x256xf32>
    %get3A_62 = arith.constant 384 : index
    %get3A_63 = arith.constant 0 : index
    %get3A_64 = vector.load %arg7[%get3A_62, %get3A_63] : memref<8192x256xf32, #tpu.memory_space<vmem>>, vector<128x256xf32>
    %add3A_65 = vector.broadcast %mul3A_10 : vector<1x256xf32> to vector<128x256xf32>
    %add3A_66 = arith.addf %get3A_64, %add3A_65 : vector<128x256xf32>
    %add3A_67 = arith.addf %add3A_66, %dot_general3A_61 : vector<128x256xf32>
    %min3A_68 = arith.minimumf %add3A_67, %min3A_52 : vector<128x256xf32>
    %lt3A_69 = arith.cmpf olt, %add3A_67, %min3A_52 : vector<128x256xf32>
    %jit3A_70 = arith.constant 3 : i32
    %broadcast_in_dim3A_71 = vector.broadcast %jit3A_70 : i32 to vector<128x256xi32>
    %select_n3A_72 = arith.select %lt3A_69, %broadcast_in_dim3A_71, %select_n3A_56 : vector<128x256xi1>, vector<128x256xi32>
    %get3A_73 = arith.constant 512 : index
    %get3A_74 = arith.constant 0 : index
    %get3A_75 = vector.load %arg2[%get3A_73, %get3A_74] : memref<8192x32xbf16, #tpu.memory_space<vmem>>, vector<128x32xbf16>
    %dot_general3A_76 = arith.constant dense<0.000000e+00> : vector<128x256xf32>
    %dot_general3A_77 = tpu.matmul %get3A_75, %get3A_6, %dot_general3A_76 {dimension_numbers = #tpu.dot_dimension_numbers<[1], [0], [0], [1], [0, 0, 1, 1], [], []>, transpose_lhs_hint = false} : vector<128x32xbf16>, vector<32x256xbf16>, vector<128x256xf32> -> vector<128x256xf32>
    %get3A_78 = arith.constant 512 : index
    %get3A_79 = arith.constant 0 : index
    %get3A_80 = vector.load %arg7[%get3A_78, %get3A_79] : memref<8192x256xf32, #tpu.memory_space<vmem>>, vector<128x256xf32>
    %add3A_81 = vector.broadcast %mul3A_10 : vector<1x256xf32> to vector<128x256xf32>
    %add3A_82 = arith.addf %get3A_80, %add3A_81 : vector<128x256xf32>
    %add3A_83 = arith.addf %add3A_82, %dot_general3A_77 : vector<128x256xf32>
    %min3A_84 = arith.minimumf %add3A_83, %min3A_68 : vector<128x256xf32>
    %lt3A_85 = arith.cmpf olt, %add3A_83, %min3A_68 : vector<128x256xf32>
    %jit3A_86 = arith.constant 4 : i32
    %broadcast_in_dim3A_87 = vector.broadcast %jit3A_86 : i32 to vector<128x256xi32>
    %select_n3A_88 = arith.select %lt3A_85, %broadcast_in_dim3A_87, %select_n3A_72 : vector<128x256xi1>, vector<128x256xi32>
    %get3A_89 = arith.constant 640 : index
    %get3A_90 = arith.constant 0 : index
    %get3A_91 = vector.load %arg2[%get3A_89, %get3A_90] : memref<8192x32xbf16, #tpu.memory_space<vmem>>, vector<128x32xbf16>
    %dot_general3A_92 = arith.constant dense<0.000000e+00> : vector<128x256xf32>
    %dot_general3A_93 = tpu.matmul %get3A_91, %get3A_6, %dot_general3A_92 {dimension_numbers = #tpu.dot_dimension_numbers<[1], [0], [0], [1], [0, 0, 1, 1], [], []>, transpose_lhs_hint = false} : vector<128x32xbf16>, vector<32x256xbf16>, vector<128x256xf32> -> vector<128x256xf32>
    %get3A_94 = arith.constant 640 : index
    %get3A_95 = arith.constant 0 : index
    %get3A_96 = vector.load %arg7[%get3A_94, %get3A_95] : memref<8192x256xf32, #tpu.memory_space<vmem>>, vector<128x256xf32>
    %add3A_97 = vector.broadcast %mul3A_10 : vector<1x256xf32> to vector<128x256xf32>
    %add3A_98 = arith.addf %get3A_96, %add3A_97 : vector<128x256xf32>
    %add3A_99 = arith.addf %add3A_98, %dot_general3A_93 : vector<128x256xf32>
    %min3A_100 = arith.minimumf %add3A_99, %min3A_84 : vector<128x256xf32>
    %lt3A_101 = arith.cmpf olt, %add3A_99, %min3A_84 : vector<128x256xf32>
    %jit3A_102 = arith.constant 5 : i32
    %broadcast_in_dim3A_103 = vector.broadcast %jit3A_102 : i32 to vector<128x256xi32>
    %select_n3A_104 = arith.select %lt3A_101, %broadcast_in_dim3A_103, %select_n3A_88 : vector<128x256xi1>, vector<128x256xi32>
    %get3A_105 = arith.constant 768 : index
    %get3A_106 = arith.constant 0 : index
    %get3A_107 = vector.load %arg2[%get3A_105, %get3A_106] : memref<8192x32xbf16, #tpu.memory_space<vmem>>, vector<128x32xbf16>
    %dot_general3A_108 = arith.constant dense<0.000000e+00> : vector<128x256xf32>
    %dot_general3A_109 = tpu.matmul %get3A_107, %get3A_6, %dot_general3A_108 {dimension_numbers = #tpu.dot_dimension_numbers<[1], [0], [0], [1], [0, 0, 1, 1], [], []>, transpose_lhs_hint = false} : vector<128x32xbf16>, vector<32x256xbf16>, vector<128x256xf32> -> vector<128x256xf32>
    %get3A_110 = arith.constant 768 : index
    %get3A_111 = arith.constant 0 : index
    %get3A_112 = vector.load %arg7[%get3A_110, %get3A_111] : memref<8192x256xf32, #tpu.memory_space<vmem>>, vector<128x256xf32>
    %add3A_113 = vector.broadcast %mul3A_10 : vector<1x256xf32> to vector<128x256xf32>
    %add3A_114 = arith.addf %get3A_112, %add3A_113 : vector<128x256xf32>
    %add3A_115 = arith.addf %add3A_114, %dot_general3A_109 : vector<128x256xf32>
    %min3A_116 = arith.minimumf %add3A_115, %min3A_100 : vector<128x256xf32>
    %lt3A_117 = arith.cmpf olt, %add3A_115, %min3A_100 : vector<128x256xf32>
    %jit3A_118 = arith.constant 6 : i32
    %broadcast_in_dim3A_119 = vector.broadcast %jit3A_118 : i32 to vector<128x256xi32>
    %select_n3A_120 = arith.select %lt3A_117, %broadcast_in_dim3A_119, %select_n3A_104 : vector<128x256xi1>, vector<128x256xi32>
    %get3A_121 = arith.constant 896 : index
    %get3A_122 = arith.constant 0 : index
    %get3A_123 = vector.load %arg2[%get3A_121, %get3A_122] : memref<8192x32xbf16, #tpu.memory_space<vmem>>, vector<128x32xbf16>
    %dot_general3A_124 = arith.constant dense<0.000000e+00> : vector<128x256xf32>
    %dot_general3A_125 = tpu.matmul %get3A_123, %get3A_6, %dot_general3A_124 {dimension_numbers = #tpu.dot_dimension_numbers<[1], [0], [0], [1], [0, 0, 1, 1], [], []>, transpose_lhs_hint = false} : vector<128x32xbf16>, vector<32x256xbf16>, vector<128x256xf32> -> vector<128x256xf32>
    %get3A_126 = arith.constant 896 : index
    %get3A_127 = arith.constant 0 : index
    %get3A_128 = vector.load %arg7[%get3A_126, %get3A_127] : memref<8192x256xf32, #tpu.memory_space<vmem>>, vector<128x256xf32>
    %add3A_129 = vector.broadcast %mul3A_10 : vector<1x256xf32> to vector<128x256xf32>
    %add3A_130 = arith.addf %get3A_128, %add3A_129 : vector<128x256xf32>
    %add3A_131 = arith.addf %add3A_130, %dot_general3A_125 : vector<128x256xf32>
    %min3A_132 = arith.minimumf %add3A_131, %min3A_116 : vector<128x256xf32>
    %lt3A_133 = arith.cmpf olt, %add3A_131, %min3A_116 : vector<128x256xf32>
    %jit3A_134 = arith.constant 7 : i32
    %broadcast_in_dim3A_135 = vector.broadcast %jit3A_134 : i32 to vector<128x256xi32>
    %select_n3A_136 = arith.select %lt3A_133, %broadcast_in_dim3A_135, %select_n3A_120 : vector<128x256xi1>, vector<128x256xi32>
    %get3A_137 = arith.constant 1024 : index
    %get3A_138 = arith.constant 0 : index
    %get3A_139 = vector.load %arg2[%get3A_137, %get3A_138] : memref<8192x32xbf16, #tpu.memory_space<vmem>>, vector<128x32xbf16>
    %dot_general3A_140 = arith.constant dense<0.000000e+00> : vector<128x256xf32>
    %dot_general3A_141 = tpu.matmul %get3A_139, %get3A_6, %dot_general3A_140 {dimension_numbers = #tpu.dot_dimension_numbers<[1], [0], [0], [1], [0, 0, 1, 1], [], []>, transpose_lhs_hint = false} : vector<128x32xbf16>, vector<32x256xbf16>, vector<128x256xf32> -> vector<128x256xf32>
    %get3A_142 = arith.constant 1024 : index
    %get3A_143 = arith.constant 0 : index
    %get3A_144 = vector.load %arg7[%get3A_142, %get3A_143] : memref<8192x256xf32, #tpu.memory_space<vmem>>, vector<128x256xf32>
    %add3A_145 = vector.broadcast %mul3A_10 : vector<1x256xf32> to vector<128x256xf32>
    %add3A_146 = arith.addf %get3A_144, %add3A_145 : vector<128x256xf32>
    %add3A_147 = arith.addf %add3A_146, %dot_general3A_141 : vector<128x256xf32>
    %min3A_148 = arith.minimumf %add3A_147, %min3A_132 : vector<128x256xf32>
    %lt3A_149 = arith.cmpf olt, %add3A_147, %min3A_132 : vector<128x256xf32>
    %jit3A_150 = arith.constant 8 : i32
    %broadcast_in_dim3A_151 = vector.broadcast %jit3A_150 : i32 to vector<128x256xi32>
    %select_n3A_152 = arith.select %lt3A_149, %broadcast_in_dim3A_151, %select_n3A_136 : vector<128x256xi1>, vector<128x256xi32>
    %get3A_153 = arith.constant 1152 : index
    %get3A_154 = arith.constant 0 : index
    %get3A_155 = vector.load %arg2[%get3A_153, %get3A_154] : memref<8192x32xbf16, #tpu.memory_space<vmem>>, vector<128x32xbf16>
    %dot_general3A_156 = arith.constant dense<0.000000e+00> : vector<128x256xf32>
    %dot_general3A_157 = tpu.matmul %get3A_155, %get3A_6, %dot_general3A_156 {dimension_numbers = #tpu.dot_dimension_numbers<[1], [0], [0], [1], [0, 0, 1, 1], [], []>, transpose_lhs_hint = false} : vector<128x32xbf16>, vector<32x256xbf16>, vector<128x256xf32> -> vector<128x256xf32>
    %get3A_158 = arith.constant 1152 : index
    %get3A_159 = arith.constant 0 : index
    %get3A_160 = vector.load %arg7[%get3A_158, %get3A_159] : memref<8192x256xf32, #tpu.memory_space<vmem>>, vector<128x256xf32>
    %add3A_161 = vector.broadcast %mul3A_10 : vector<1x256xf32> to vector<128x256xf32>
    %add3A_162 = arith.addf %get3A_160, %add3A_161 : vector<128x256xf32>
    %add3A_163 = arith.addf %add3A_162, %dot_general3A_157 : vector<128x256xf32>
    %min3A_164 = arith.minimumf %add3A_163, %min3A_148 : vector<128x256xf32>
    %lt3A_165 = arith.cmpf olt, %add3A_163, %min3A_148 : vector<128x256xf32>
    %jit3A_166 = arith.constant 9 : i32
    %broadcast_in_dim3A_167 = vector.broadcast %jit3A_166 : i32 to vector<128x256xi32>
    %select_n3A_168 = arith.select %lt3A_165, %broadcast_in_dim3A_167, %select_n3A_152 : vector<128x256xi1>, vector<128x256xi32>
    %get3A_169 = arith.constant 1280 : index
    %get3A_170 = arith.constant 0 : index
    %get3A_171 = vector.load %arg2[%get3A_169, %get3A_170] : memref<8192x32xbf16, #tpu.memory_space<vmem>>, vector<128x32xbf16>
    %dot_general3A_172 = arith.constant dense<0.000000e+00> : vector<128x256xf32>
    %dot_general3A_173 = tpu.matmul %get3A_171, %get3A_6, %dot_general3A_172 {dimension_numbers = #tpu.dot_dimension_numbers<[1], [0], [0], [1], [0, 0, 1, 1], [], []>, transpose_lhs_hint = false} : vector<128x32xbf16>, vector<32x256xbf16>, vector<128x256xf32> -> vector<128x256xf32>
    %get3A_174 = arith.constant 1280 : index
    %get3A_175 = arith.constant 0 : index
    %get3A_176 = vector.load %arg7[%get3A_174, %get3A_175] : memref<8192x256xf32, #tpu.memory_space<vmem>>, vector<128x256xf32>
    %add3A_177 = vector.broadcast %mul3A_10 : vector<1x256xf32> to vector<128x256xf32>
    %add3A_178 = arith.addf %get3A_176, %add3A_177 : vector<128x256xf32>
    %add3A_179 = arith.addf %add3A_178, %dot_general3A_173 : vector<128x256xf32>
    %min3A_180 = arith.minimumf %add3A_179, %min3A_164 : vector<128x256xf32>
    %lt3A_181 = arith.cmpf olt, %add3A_179, %min3A_164 : vector<128x256xf32>
    %jit3A_182 = arith.constant 10 : i32
    %broadcast_in_dim3A_183 = vector.broadcast %jit3A_182 : i32 to vector<128x256xi32>
    %select_n3A_184 = arith.select %lt3A_181, %broadcast_in_dim3A_183, %select_n3A_168 : vector<128x256xi1>, vector<128x256xi32>
    %get3A_185 = arith.constant 1408 : index
    %get3A_186 = arith.constant 0 : index
    %get3A_187 = vector.load %arg2[%get3A_185, %get3A_186] : memref<8192x32xbf16, #tpu.memory_space<vmem>>, vector<128x32xbf16>
    %dot_general3A_188 = arith.constant dense<0.000000e+00> : vector<128x256xf32>
    %dot_general3A_189 = tpu.matmul %get3A_187, %get3A_6, %dot_general3A_188 {dimension_numbers = #tpu.dot_dimension_numbers<[1], [0], [0], [1], [0, 0, 1, 1], [], []>, transpose_lhs_hint = false} : vector<128x32xbf16>, vector<32x256xbf16>, vector<128x256xf32> -> vector<128x256xf32>
    %get3A_190 = arith.constant 1408 : index
    %get3A_191 = arith.constant 0 : index
    %get3A_192 = vector.load %arg7[%get3A_190, %get3A_191] : memref<8192x256xf32, #tpu.memory_space<vmem>>, vector<128x256xf32>
    %add3A_193 = vector.broadcast %mul3A_10 : vector<1x256xf32> to vector<128x256xf32>
    %add3A_194 = arith.addf %get3A_192, %add3A_193 : vector<128x256xf32>
    %add3A_195 = arith.addf %add3A_194, %dot_general3A_189 : vector<128x256xf32>
    %min3A_196 = arith.minimumf %add3A_195, %min3A_180 : vector<128x256xf32>
    %lt3A_197 = arith.cmpf olt, %add3A_195, %min3A_180 : vector<128x256xf32>
    %jit3A_198 = arith.constant 11 : i32
    %broadcast_in_dim3A_199 = vector.broadcast %jit3A_198 : i32 to vector<128x256xi32>
    %select_n3A_200 = arith.select %lt3A_197, %broadcast_in_dim3A_199, %select_n3A_184 : vector<128x256xi1>, vector<128x256xi32>
    %get3A_201 = arith.constant 1536 : index
    %get3A_202 = arith.constant 0 : index
    %get3A_203 = vector.load %arg2[%get3A_201, %get3A_202] : memref<8192x32xbf16, #tpu.memory_space<vmem>>, vector<128x32xbf16>
    %dot_general3A_204 = arith.constant dense<0.000000e+00> : vector<128x256xf32>
    %dot_general3A_205 = tpu.matmul %get3A_203, %get3A_6, %dot_general3A_204 {dimension_numbers = #tpu.dot_dimension_numbers<[1], [0], [0], [1], [0, 0, 1, 1], [], []>, transpose_lhs_hint = false} : vector<128x32xbf16>, vector<32x256xbf16>, vector<128x256xf32> -> vector<128x256xf32>
    %get3A_206 = arith.constant 1536 : index
    %get3A_207 = arith.constant 0 : index
    %get3A_208 = vector.load %arg7[%get3A_206, %get3A_207] : memref<8192x256xf32, #tpu.memory_space<vmem>>, vector<128x256xf32>
    %add3A_209 = vector.broadcast %mul3A_10 : vector<1x256xf32> to vector<128x256xf32>
    %add3A_210 = arith.addf %get3A_208, %add3A_209 : vector<128x256xf32>
    %add3A_211 = arith.addf %add3A_210, %dot_general3A_205 : vector<128x256xf32>
    %min3A_212 = arith.minimumf %add3A_211, %min3A_196 : vector<128x256xf32>
    %lt3A_213 = arith.cmpf olt, %add3A_211, %min3A_196 : vector<128x256xf32>
    %jit3A_214 = arith.constant 12 : i32
    %broadcast_in_dim3A_215 = vector.broadcast %jit3A_214 : i32 to vector<128x256xi32>
    %select_n3A_216 = arith.select %lt3A_213, %broadcast_in_dim3A_215, %select_n3A_200 : vector<128x256xi1>, vector<128x256xi32>
    %get3A_217 = arith.constant 1664 : index
    %get3A_218 = arith.constant 0 : index
    %get3A_219 = vector.load %arg2[%get3A_217, %get3A_218] : memref<8192x32xbf16, #tpu.memory_space<vmem>>, vector<128x32xbf16>
    %dot_general3A_220 = arith.constant dense<0.000000e+00> : vector<128x256xf32>
    %dot_general3A_221 = tpu.matmul %get3A_219, %get3A_6, %dot_general3A_220 {dimension_numbers = #tpu.dot_dimension_numbers<[1], [0], [0], [1], [0, 0, 1, 1], [], []>, transpose_lhs_hint = false} : vector<128x32xbf16>, vector<32x256xbf16>, vector<128x256xf32> -> vector<128x256xf32>
    %get3A_222 = arith.constant 1664 : index
    %get3A_223 = arith.constant 0 : index
    %get3A_224 = vector.load %arg7[%get3A_222, %get3A_223] : memref<8192x256xf32, #tpu.memory_space<vmem>>, vector<128x256xf32>
    %add3A_225 = vector.broadcast %mul3A_10 : vector<1x256xf32> to vector<128x256xf32>
    %add3A_226 = arith.addf %get3A_224, %add3A_225 : vector<128x256xf32>
    %add3A_227 = arith.addf %add3A_226, %dot_general3A_221 : vector<128x256xf32>
    %min3A_228 = arith.minimumf %add3A_227, %min3A_212 : vector<128x256xf32>
    %lt3A_229 = arith.cmpf olt, %add3A_227, %min3A_212 : vector<128x256xf32>
    %jit3A_230 = arith.constant 13 : i32
    %broadcast_in_dim3A_231 = vector.broadcast %jit3A_230 : i32 to vector<128x256xi32>
    %select_n3A_232 = arith.select %lt3A_229, %broadcast_in_dim3A_231, %select_n3A_216 : vector<128x256xi1>, vector<128x256xi32>
    %get3A_233 = arith.constant 1792 : index
    %get3A_234 = arith.constant 0 : index
    %get3A_235 = vector.load %arg2[%get3A_233, %get3A_234] : memref<8192x32xbf16, #tpu.memory_space<vmem>>, vector<128x32xbf16>
    %dot_general3A_236 = arith.constant dense<0.000000e+00> : vector<128x256xf32>
    %dot_general3A_237 = tpu.matmul %get3A_235, %get3A_6, %dot_general3A_236 {dimension_numbers = #tpu.dot_dimension_numbers<[1], [0], [0], [1], [0, 0, 1, 1], [], []>, transpose_lhs_hint = false} : vector<128x32xbf16>, vector<32x256xbf16>, vector<128x256xf32> -> vector<128x256xf32>
    %get3A_238 = arith.constant 1792 : index
    %get3A_239 = arith.constant 0 : index
    %get3A_240 = vector.load %arg7[%get3A_238, %get3A_239] : memref<8192x256xf32, #tpu.memory_space<vmem>>, vector<128x256xf32>
    %add3A_241 = vector.broadcast %mul3A_10 : vector<1x256xf32> to vector<128x256xf32>
    %add3A_242 = arith.addf %get3A_240, %add3A_241 : vector<128x256xf32>
    %add3A_243 = arith.addf %add3A_242, %dot_general3A_237 : vector<128x256xf32>
    %min3A_244 = arith.minimumf %add3A_243, %min3A_228 : vector<128x256xf32>
    %lt3A_245 = arith.cmpf olt, %add3A_243, %min3A_228 : vector<128x256xf32>
    %jit3A_246 = arith.constant 14 : i32
    %broadcast_in_dim3A_247 = vector.broadcast %jit3A_246 : i32 to vector<128x256xi32>
    %select_n3A_248 = arith.select %lt3A_245, %broadcast_in_dim3A_247, %select_n3A_232 : vector<128x256xi1>, vector<128x256xi32>
    %get3A_249 = arith.constant 1920 : index
    %get3A_250 = arith.constant 0 : index
    %get3A_251 = vector.load %arg2[%get3A_249, %get3A_250] : memref<8192x32xbf16, #tpu.memory_space<vmem>>, vector<128x32xbf16>
    %dot_general3A_252 = arith.constant dense<0.000000e+00> : vector<128x256xf32>
    %dot_general3A_253 = tpu.matmul %get3A_251, %get3A_6, %dot_general3A_252 {dimension_numbers = #tpu.dot_dimension_numbers<[1], [0], [0], [1], [0, 0, 1, 1], [], []>, transpose_lhs_hint = false} : vector<128x32xbf16>, vector<32x256xbf16>, vector<128x256xf32> -> vector<128x256xf32>
    %get3A_254 = arith.constant 1920 : index
    %get3A_255 = arith.constant 0 : index
    %get3A_256 = vector.load %arg7[%get3A_254, %get3A_255] : memref<8192x256xf32, #tpu.memory_space<vmem>>, vector<128x256xf32>
    %add3A_257 = vector.broadcast %mul3A_10 : vector<1x256xf32> to vector<128x256xf32>
    %add3A_258 = arith.addf %get3A_256, %add3A_257 : vector<128x256xf32>
    %add3A_259 = arith.addf %add3A_258, %dot_general3A_253 : vector<128x256xf32>
    %min3A_260 = arith.minimumf %add3A_259, %min3A_244 : vector<128x256xf32>
    %lt3A_261 = arith.cmpf olt, %add3A_259, %min3A_244 : vector<128x256xf32>
    %jit3A_262 = arith.constant 15 : i32
    %broadcast_in_dim3A_263 = vector.broadcast %jit3A_262 : i32 to vector<128x256xi32>
    %select_n3A_264 = arith.select %lt3A_261, %broadcast_in_dim3A_263, %select_n3A_248 : vector<128x256xi1>, vector<128x256xi32>
    %get3A_265 = arith.constant 2048 : index
    %get3A_266 = arith.constant 0 : index
    %get3A_267 = vector.load %arg2[%get3A_265, %get3A_266] : memref<8192x32xbf16, #tpu.memory_space<vmem>>, vector<128x32xbf16>
    %dot_general3A_268 = arith.constant dense<0.000000e+00> : vector<128x256xf32>
    %dot_general3A_269 = tpu.matmul %get3A_267, %get3A_6, %dot_general3A_268 {dimension_numbers = #tpu.dot_dimension_numbers<[1], [0], [0], [1], [0, 0, 1, 1], [], []>, transpose_lhs_hint = false} : vector<128x32xbf16>, vector<32x256xbf16>, vector<128x256xf32> -> vector<128x256xf32>
    %get3A_270 = arith.constant 2048 : index
    %get3A_271 = arith.constant 0 : index
    %get3A_272 = vector.load %arg7[%get3A_270, %get3A_271] : memref<8192x256xf32, #tpu.memory_space<vmem>>, vector<128x256xf32>
    %add3A_273 = vector.broadcast %mul3A_10 : vector<1x256xf32> to vector<128x256xf32>
    %add3A_274 = arith.addf %get3A_272, %add3A_273 : vector<128x256xf32>
    %add3A_275 = arith.addf %add3A_274, %dot_general3A_269 : vector<128x256xf32>
    %min3A_276 = arith.minimumf %add3A_275, %min3A_260 : vector<128x256xf32>
    %lt3A_277 = arith.cmpf olt, %add3A_275, %min3A_260 : vector<128x256xf32>
    %jit3A_278 = arith.constant 16 : i32
    %broadcast_in_dim3A_279 = vector.broadcast %jit3A_278 : i32 to vector<128x256xi32>
    %select_n3A_280 = arith.select %lt3A_277, %broadcast_in_dim3A_279, %select_n3A_264 : vector<128x256xi1>, vector<128x256xi32>
    %get3A_281 = arith.constant 2176 : index
    %get3A_282 = arith.constant 0 : index
    %get3A_283 = vector.load %arg2[%get3A_281, %get3A_282] : memref<8192x32xbf16, #tpu.memory_space<vmem>>, vector<128x32xbf16>
    %dot_general3A_284 = arith.constant dense<0.000000e+00> : vector<128x256xf32>
    %dot_general3A_285 = tpu.matmul %get3A_283, %get3A_6, %dot_general3A_284 {dimension_numbers = #tpu.dot_dimension_numbers<[1], [0], [0], [1], [0, 0, 1, 1], [], []>, transpose_lhs_hint = false} : vector<128x32xbf16>, vector<32x256xbf16>, vector<128x256xf32> -> vector<128x256xf32>
    %get3A_286 = arith.constant 2176 : index
    %get3A_287 = arith.constant 0 : index
    %get3A_288 = vector.load %arg7[%get3A_286, %get3A_287] : memref<8192x256xf32, #tpu.memory_space<vmem>>, vector<128x256xf32>
    %add3A_289 = vector.broadcast %mul3A_10 : vector<1x256xf32> to vector<128x256xf32>
    %add3A_290 = arith.addf %get3A_288, %add3A_289 : vector<128x256xf32>
    %add3A_291 = arith.addf %add3A_290, %dot_general3A_285 : vector<128x256xf32>
    %min3A_292 = arith.minimumf %add3A_291, %min3A_276 : vector<128x256xf32>
    %lt3A_293 = arith.cmpf olt, %add3A_291, %min3A_276 : vector<128x256xf32>
    %jit3A_294 = arith.constant 17 : i32
    %broadcast_in_dim3A_295 = vector.broadcast %jit3A_294 : i32 to vector<128x256xi32>
    %select_n3A_296 = arith.select %lt3A_293, %broadcast_in_dim3A_295, %select_n3A_280 : vector<128x256xi1>, vector<128x256xi32>
    %get3A_297 = arith.constant 2304 : index
    %get3A_298 = arith.constant 0 : index
    %get3A_299 = vector.load %arg2[%get3A_297, %get3A_298] : memref<8192x32xbf16, #tpu.memory_space<vmem>>, vector<128x32xbf16>
    %dot_general3A_300 = arith.constant dense<0.000000e+00> : vector<128x256xf32>
    %dot_general3A_301 = tpu.matmul %get3A_299, %get3A_6, %dot_general3A_300 {dimension_numbers = #tpu.dot_dimension_numbers<[1], [0], [0], [1], [0, 0, 1, 1], [], []>, transpose_lhs_hint = false} : vector<128x32xbf16>, vector<32x256xbf16>, vector<128x256xf32> -> vector<128x256xf32>
    %get3A_302 = arith.constant 2304 : index
    %get3A_303 = arith.constant 0 : index
    %get3A_304 = vector.load %arg7[%get3A_302, %get3A_303] : memref<8192x256xf32, #tpu.memory_space<vmem>>, vector<128x256xf32>
    %add3A_305 = vector.broadcast %mul3A_10 : vector<1x256xf32> to vector<128x256xf32>
    %add3A_306 = arith.addf %get3A_304, %add3A_305 : vector<128x256xf32>
    %add3A_307 = arith.addf %add3A_306, %dot_general3A_301 : vector<128x256xf32>
    %min3A_308 = arith.minimumf %add3A_307, %min3A_292 : vector<128x256xf32>
    %lt3A_309 = arith.cmpf olt, %add3A_307, %min3A_292 : vector<128x256xf32>
    %jit3A_310 = arith.constant 18 : i32
    %broadcast_in_dim3A_311 = vector.broadcast %jit3A_310 : i32 to vector<128x256xi32>
    %select_n3A_312 = arith.select %lt3A_309, %broadcast_in_dim3A_311, %select_n3A_296 : vector<128x256xi1>, vector<128x256xi32>
    %get3A_313 = arith.constant 2432 : index
    %get3A_314 = arith.constant 0 : index
    %get3A_315 = vector.load %arg2[%get3A_313, %get3A_314] : memref<8192x32xbf16, #tpu.memory_space<vmem>>, vector<128x32xbf16>
    %dot_general3A_316 = arith.constant dense<0.000000e+00> : vector<128x256xf32>
    %dot_general3A_317 = tpu.matmul %get3A_315, %get3A_6, %dot_general3A_316 {dimension_numbers = #tpu.dot_dimension_numbers<[1], [0], [0], [1], [0, 0, 1, 1], [], []>, transpose_lhs_hint = false} : vector<128x32xbf16>, vector<32x256xbf16>, vector<128x256xf32> -> vector<128x256xf32>
    %get3A_318 = arith.constant 2432 : index
    %get3A_319 = arith.constant 0 : index
    %get3A_320 = vector.load %arg7[%get3A_318, %get3A_319] : memref<8192x256xf32, #tpu.memory_space<vmem>>, vector<128x256xf32>
    %add3A_321 = vector.broadcast %mul3A_10 : vector<1x256xf32> to vector<128x256xf32>
    %add3A_322 = arith.addf %get3A_320, %add3A_321 : vector<128x256xf32>
    %add3A_323 = arith.addf %add3A_322, %dot_general3A_317 : vector<128x256xf32>
    %min3A_324 = arith.minimumf %add3A_323, %min3A_308 : vector<128x256xf32>
    %lt3A_325 = arith.cmpf olt, %add3A_323, %min3A_308 : vector<128x256xf32>
    %jit3A_326 = arith.constant 19 : i32
    %broadcast_in_dim3A_327 = vector.broadcast %jit3A_326 : i32 to vector<128x256xi32>
    %select_n3A_328 = arith.select %lt3A_325, %broadcast_in_dim3A_327, %select_n3A_312 : vector<128x256xi1>, vector<128x256xi32>
    %get3A_329 = arith.constant 2560 : index
    %get3A_330 = arith.constant 0 : index
    %get3A_331 = vector.load %arg2[%get3A_329, %get3A_330] : memref<8192x32xbf16, #tpu.memory_space<vmem>>, vector<128x32xbf16>
    %dot_general3A_332 = arith.constant dense<0.000000e+00> : vector<128x256xf32>
    %dot_general3A_333 = tpu.matmul %get3A_331, %get3A_6, %dot_general3A_332 {dimension_numbers = #tpu.dot_dimension_numbers<[1], [0], [0], [1], [0, 0, 1, 1], [], []>, transpose_lhs_hint = false} : vector<128x32xbf16>, vector<32x256xbf16>, vector<128x256xf32> -> vector<128x256xf32>
    %get3A_334 = arith.constant 2560 : index
    %get3A_335 = arith.constant 0 : index
    %get3A_336 = vector.load %arg7[%get3A_334, %get3A_335] : memref<8192x256xf32, #tpu.memory_space<vmem>>, vector<128x256xf32>
    %add3A_337 = vector.broadcast %mul3A_10 : vector<1x256xf32> to vector<128x256xf32>
    %add3A_338 = arith.addf %get3A_336, %add3A_337 : vector<128x256xf32>
    %add3A_339 = arith.addf %add3A_338, %dot_general3A_333 : vector<128x256xf32>
    %min3A_340 = arith.minimumf %add3A_339, %min3A_324 : vector<128x256xf32>
    %lt3A_341 = arith.cmpf olt, %add3A_339, %min3A_324 : vector<128x256xf32>
    %jit3A_342 = arith.constant 20 : i32
    %broadcast_in_dim3A_343 = vector.broadcast %jit3A_342 : i32 to vector<128x256xi32>
    %select_n3A_344 = arith.select %lt3A_341, %broadcast_in_dim3A_343, %select_n3A_328 : vector<128x256xi1>, vector<128x256xi32>
    %get3A_345 = arith.constant 2688 : index
    %get3A_346 = arith.constant 0 : index
    %get3A_347 = vector.load %arg2[%get3A_345, %get3A_346] : memref<8192x32xbf16, #tpu.memory_space<vmem>>, vector<128x32xbf16>
    %dot_general3A_348 = arith.constant dense<0.000000e+00> : vector<128x256xf32>
    %dot_general3A_349 = tpu.matmul %get3A_347, %get3A_6, %dot_general3A_348 {dimension_numbers = #tpu.dot_dimension_numbers<[1], [0], [0], [1], [0, 0, 1, 1], [], []>, transpose_lhs_hint = false} : vector<128x32xbf16>, vector<32x256xbf16>, vector<128x256xf32> -> vector<128x256xf32>
    %get3A_350 = arith.constant 2688 : index
    %get3A_351 = arith.constant 0 : index
    %get3A_352 = vector.load %arg7[%get3A_350, %get3A_351] : memref<8192x256xf32, #tpu.memory_space<vmem>>, vector<128x256xf32>
    %add3A_353 = vector.broadcast %mul3A_10 : vector<1x256xf32> to vector<128x256xf32>
    %add3A_354 = arith.addf %get3A_352, %add3A_353 : vector<128x256xf32>
    %add3A_355 = arith.addf %add3A_354, %dot_general3A_349 : vector<128x256xf32>
    %min3A_356 = arith.minimumf %add3A_355, %min3A_340 : vector<128x256xf32>
    %lt3A_357 = arith.cmpf olt, %add3A_355, %min3A_340 : vector<128x256xf32>
    %jit3A_358 = arith.constant 21 : i32
    %broadcast_in_dim3A_359 = vector.broadcast %jit3A_358 : i32 to vector<128x256xi32>
    %select_n3A_360 = arith.select %lt3A_357, %broadcast_in_dim3A_359, %select_n3A_344 : vector<128x256xi1>, vector<128x256xi32>
    %get3A_361 = arith.constant 2816 : index
    %get3A_362 = arith.constant 0 : index
    %get3A_363 = vector.load %arg2[%get3A_361, %get3A_362] : memref<8192x32xbf16, #tpu.memory_space<vmem>>, vector<128x32xbf16>
    %dot_general3A_364 = arith.constant dense<0.000000e+00> : vector<128x256xf32>
    %dot_general3A_365 = tpu.matmul %get3A_363, %get3A_6, %dot_general3A_364 {dimension_numbers = #tpu.dot_dimension_numbers<[1], [0], [0], [1], [0, 0, 1, 1], [], []>, transpose_lhs_hint = false} : vector<128x32xbf16>, vector<32x256xbf16>, vector<128x256xf32> -> vector<128x256xf32>
    %get3A_366 = arith.constant 2816 : index
    %get3A_367 = arith.constant 0 : index
    %get3A_368 = vector.load %arg7[%get3A_366, %get3A_367] : memref<8192x256xf32, #tpu.memory_space<vmem>>, vector<128x256xf32>
    %add3A_369 = vector.broadcast %mul3A_10 : vector<1x256xf32> to vector<128x256xf32>
    %add3A_370 = arith.addf %get3A_368, %add3A_369 : vector<128x256xf32>
    %add3A_371 = arith.addf %add3A_370, %dot_general3A_365 : vector<128x256xf32>
    %min3A_372 = arith.minimumf %add3A_371, %min3A_356 : vector<128x256xf32>
    %lt3A_373 = arith.cmpf olt, %add3A_371, %min3A_356 : vector<128x256xf32>
    %jit3A_374 = arith.constant 22 : i32
    %broadcast_in_dim3A_375 = vector.broadcast %jit3A_374 : i32 to vector<128x256xi32>
    %select_n3A_376 = arith.select %lt3A_373, %broadcast_in_dim3A_375, %select_n3A_360 : vector<128x256xi1>, vector<128x256xi32>
    %get3A_377 = arith.constant 2944 : index
    %get3A_378 = arith.constant 0 : index
    %get3A_379 = vector.load %arg2[%get3A_377, %get3A_378] : memref<8192x32xbf16, #tpu.memory_space<vmem>>, vector<128x32xbf16>
    %dot_general3A_380 = arith.constant dense<0.000000e+00> : vector<128x256xf32>
    %dot_general3A_381 = tpu.matmul %get3A_379, %get3A_6, %dot_general3A_380 {dimension_numbers = #tpu.dot_dimension_numbers<[1], [0], [0], [1], [0, 0, 1, 1], [], []>, transpose_lhs_hint = false} : vector<128x32xbf16>, vector<32x256xbf16>, vector<128x256xf32> -> vector<128x256xf32>
    %get3A_382 = arith.constant 2944 : index
    %get3A_383 = arith.constant 0 : index
    %get3A_384 = vector.load %arg7[%get3A_382, %get3A_383] : memref<8192x256xf32, #tpu.memory_space<vmem>>, vector<128x256xf32>
    %add3A_385 = vector.broadcast %mul3A_10 : vector<1x256xf32> to vector<128x256xf32>
    %add3A_386 = arith.addf %get3A_384, %add3A_385 : vector<128x256xf32>
    %add3A_387 = arith.addf %add3A_386, %dot_general3A_381 : vector<128x256xf32>
    %min3A_388 = arith.minimumf %add3A_387, %min3A_372 : vector<128x256xf32>
    %lt3A_389 = arith.cmpf olt, %add3A_387, %min3A_372 : vector<128x256xf32>
    %jit3A_390 = arith.constant 23 : i32
    %broadcast_in_dim3A_391 = vector.broadcast %jit3A_390 : i32 to vector<128x256xi32>
    %select_n3A_392 = arith.select %lt3A_389, %broadcast_in_dim3A_391, %select_n3A_376 : vector<128x256xi1>, vector<128x256xi32>
    %get3A_393 = arith.constant 3072 : index
    %get3A_394 = arith.constant 0 : index
    %get3A_395 = vector.load %arg2[%get3A_393, %get3A_394] : memref<8192x32xbf16, #tpu.memory_space<vmem>>, vector<128x32xbf16>
    %dot_general3A_396 = arith.constant dense<0.000000e+00> : vector<128x256xf32>
    %dot_general3A_397 = tpu.matmul %get3A_395, %get3A_6, %dot_general3A_396 {dimension_numbers = #tpu.dot_dimension_numbers<[1], [0], [0], [1], [0, 0, 1, 1], [], []>, transpose_lhs_hint = false} : vector<128x32xbf16>, vector<32x256xbf16>, vector<128x256xf32> -> vector<128x256xf32>
    %get3A_398 = arith.constant 3072 : index
    %get3A_399 = arith.constant 0 : index
    %get3A_400 = vector.load %arg7[%get3A_398, %get3A_399] : memref<8192x256xf32, #tpu.memory_space<vmem>>, vector<128x256xf32>
    %add3A_401 = vector.broadcast %mul3A_10 : vector<1x256xf32> to vector<128x256xf32>
    %add3A_402 = arith.addf %get3A_400, %add3A_401 : vector<128x256xf32>
    %add3A_403 = arith.addf %add3A_402, %dot_general3A_397 : vector<128x256xf32>
    %min3A_404 = arith.minimumf %add3A_403, %min3A_388 : vector<128x256xf32>
    %lt3A_405 = arith.cmpf olt, %add3A_403, %min3A_388 : vector<128x256xf32>
    %jit3A_406 = arith.constant 24 : i32
    %broadcast_in_dim3A_407 = vector.broadcast %jit3A_406 : i32 to vector<128x256xi32>
    %select_n3A_408 = arith.select %lt3A_405, %broadcast_in_dim3A_407, %select_n3A_392 : vector<128x256xi1>, vector<128x256xi32>
    %get3A_409 = arith.constant 3200 : index
    %get3A_410 = arith.constant 0 : index
    %get3A_411 = vector.load %arg2[%get3A_409, %get3A_410] : memref<8192x32xbf16, #tpu.memory_space<vmem>>, vector<128x32xbf16>
    %dot_general3A_412 = arith.constant dense<0.000000e+00> : vector<128x256xf32>
    %dot_general3A_413 = tpu.matmul %get3A_411, %get3A_6, %dot_general3A_412 {dimension_numbers = #tpu.dot_dimension_numbers<[1], [0], [0], [1], [0, 0, 1, 1], [], []>, transpose_lhs_hint = false} : vector<128x32xbf16>, vector<32x256xbf16>, vector<128x256xf32> -> vector<128x256xf32>
    %get3A_414 = arith.constant 3200 : index
    %get3A_415 = arith.constant 0 : index
    %get3A_416 = vector.load %arg7[%get3A_414, %get3A_415] : memref<8192x256xf32, #tpu.memory_space<vmem>>, vector<128x256xf32>
    %add3A_417 = vector.broadcast %mul3A_10 : vector<1x256xf32> to vector<128x256xf32>
    %add3A_418 = arith.addf %get3A_416, %add3A_417 : vector<128x256xf32>
    %add3A_419 = arith.addf %add3A_418, %dot_general3A_413 : vector<128x256xf32>
    %min3A_420 = arith.minimumf %add3A_419, %min3A_404 : vector<128x256xf32>
    %lt3A_421 = arith.cmpf olt, %add3A_419, %min3A_404 : vector<128x256xf32>
    %jit3A_422 = arith.constant 25 : i32
    %broadcast_in_dim3A_423 = vector.broadcast %jit3A_422 : i32 to vector<128x256xi32>
    %select_n3A_424 = arith.select %lt3A_421, %broadcast_in_dim3A_423, %select_n3A_408 : vector<128x256xi1>, vector<128x256xi32>
    %get3A_425 = arith.constant 3328 : index
    %get3A_426 = arith.constant 0 : index
    %get3A_427 = vector.load %arg2[%get3A_425, %get3A_426] : memref<8192x32xbf16, #tpu.memory_space<vmem>>, vector<128x32xbf16>
    %dot_general3A_428 = arith.constant dense<0.000000e+00> : vector<128x256xf32>
    %dot_general3A_429 = tpu.matmul %get3A_427, %get3A_6, %dot_general3A_428 {dimension_numbers = #tpu.dot_dimension_numbers<[1], [0], [0], [1], [0, 0, 1, 1], [], []>, transpose_lhs_hint = false} : vector<128x32xbf16>, vector<32x256xbf16>, vector<128x256xf32> -> vector<128x256xf32>
    %get3A_430 = arith.constant 3328 : index
    %get3A_431 = arith.constant 0 : index
    %get3A_432 = vector.load %arg7[%get3A_430, %get3A_431] : memref<8192x256xf32, #tpu.memory_space<vmem>>, vector<128x256xf32>
    %add3A_433 = vector.broadcast %mul3A_10 : vector<1x256xf32> to vector<128x256xf32>
    %add3A_434 = arith.addf %get3A_432, %add3A_433 : vector<128x256xf32>
    %add3A_435 = arith.addf %add3A_434, %dot_general3A_429 : vector<128x256xf32>
    %min3A_436 = arith.minimumf %add3A_435, %min3A_420 : vector<128x256xf32>
    %lt3A_437 = arith.cmpf olt, %add3A_435, %min3A_420 : vector<128x256xf32>
    %jit3A_438 = arith.constant 26 : i32
    %broadcast_in_dim3A_439 = vector.broadcast %jit3A_438 : i32 to vector<128x256xi32>
    %select_n3A_440 = arith.select %lt3A_437, %broadcast_in_dim3A_439, %select_n3A_424 : vector<128x256xi1>, vector<128x256xi32>
    %get3A_441 = arith.constant 3456 : index
    %get3A_442 = arith.constant 0 : index
    %get3A_443 = vector.load %arg2[%get3A_441, %get3A_442] : memref<8192x32xbf16, #tpu.memory_space<vmem>>, vector<128x32xbf16>
    %dot_general3A_444 = arith.constant dense<0.000000e+00> : vector<128x256xf32>
    %dot_general3A_445 = tpu.matmul %get3A_443, %get3A_6, %dot_general3A_444 {dimension_numbers = #tpu.dot_dimension_numbers<[1], [0], [0], [1], [0, 0, 1, 1], [], []>, transpose_lhs_hint = false} : vector<128x32xbf16>, vector<32x256xbf16>, vector<128x256xf32> -> vector<128x256xf32>
    %get3A_446 = arith.constant 3456 : index
    %get3A_447 = arith.constant 0 : index
    %get3A_448 = vector.load %arg7[%get3A_446, %get3A_447] : memref<8192x256xf32, #tpu.memory_space<vmem>>, vector<128x256xf32>
    %add3A_449 = vector.broadcast %mul3A_10 : vector<1x256xf32> to vector<128x256xf32>
    %add3A_450 = arith.addf %get3A_448, %add3A_449 : vector<128x256xf32>
    %add3A_451 = arith.addf %add3A_450, %dot_general3A_445 : vector<128x256xf32>
    %min3A_452 = arith.minimumf %add3A_451, %min3A_436 : vector<128x256xf32>
    %lt3A_453 = arith.cmpf olt, %add3A_451, %min3A_436 : vector<128x256xf32>
    %jit3A_454 = arith.constant 27 : i32
    %broadcast_in_dim3A_455 = vector.broadcast %jit3A_454 : i32 to vector<128x256xi32>
    %select_n3A_456 = arith.select %lt3A_453, %broadcast_in_dim3A_455, %select_n3A_440 : vector<128x256xi1>, vector<128x256xi32>
    %get3A_457 = arith.constant 3584 : index
    %get3A_458 = arith.constant 0 : index
    %get3A_459 = vector.load %arg2[%get3A_457, %get3A_458] : memref<8192x32xbf16, #tpu.memory_space<vmem>>, vector<128x32xbf16>
    %dot_general3A_460 = arith.constant dense<0.000000e+00> : vector<128x256xf32>
    %dot_general3A_461 = tpu.matmul %get3A_459, %get3A_6, %dot_general3A_460 {dimension_numbers = #tpu.dot_dimension_numbers<[1], [0], [0], [1], [0, 0, 1, 1], [], []>, transpose_lhs_hint = false} : vector<128x32xbf16>, vector<32x256xbf16>, vector<128x256xf32> -> vector<128x256xf32>
    %get3A_462 = arith.constant 3584 : index
    %get3A_463 = arith.constant 0 : index
    %get3A_464 = vector.load %arg7[%get3A_462, %get3A_463] : memref<8192x256xf32, #tpu.memory_space<vmem>>, vector<128x256xf32>
    %add3A_465 = vector.broadcast %mul3A_10 : vector<1x256xf32> to vector<128x256xf32>
    %add3A_466 = arith.addf %get3A_464, %add3A_465 : vector<128x256xf32>
    %add3A_467 = arith.addf %add3A_466, %dot_general3A_461 : vector<128x256xf32>
    %min3A_468 = arith.minimumf %add3A_467, %min3A_452 : vector<128x256xf32>
    %lt3A_469 = arith.cmpf olt, %add3A_467, %min3A_452 : vector<128x256xf32>
    %jit3A_470 = arith.constant 28 : i32
    %broadcast_in_dim3A_471 = vector.broadcast %jit3A_470 : i32 to vector<128x256xi32>
    %select_n3A_472 = arith.select %lt3A_469, %broadcast_in_dim3A_471, %select_n3A_456 : vector<128x256xi1>, vector<128x256xi32>
    %get3A_473 = arith.constant 3712 : index
    %get3A_474 = arith.constant 0 : index
    %get3A_475 = vector.load %arg2[%get3A_473, %get3A_474] : memref<8192x32xbf16, #tpu.memory_space<vmem>>, vector<128x32xbf16>
    %dot_general3A_476 = arith.constant dense<0.000000e+00> : vector<128x256xf32>
    %dot_general3A_477 = tpu.matmul %get3A_475, %get3A_6, %dot_general3A_476 {dimension_numbers = #tpu.dot_dimension_numbers<[1], [0], [0], [1], [0, 0, 1, 1], [], []>, transpose_lhs_hint = false} : vector<128x32xbf16>, vector<32x256xbf16>, vector<128x256xf32> -> vector<128x256xf32>
    %get3A_478 = arith.constant 3712 : index
    %get3A_479 = arith.constant 0 : index
    %get3A_480 = vector.load %arg7[%get3A_478, %get3A_479] : memref<8192x256xf32, #tpu.memory_space<vmem>>, vector<128x256xf32>
    %add3A_481 = vector.broadcast %mul3A_10 : vector<1x256xf32> to vector<128x256xf32>
    %add3A_482 = arith.addf %get3A_480, %add3A_481 : vector<128x256xf32>
    %add3A_483 = arith.addf %add3A_482, %dot_general3A_477 : vector<128x256xf32>
    %min3A_484 = arith.minimumf %add3A_483, %min3A_468 : vector<128x256xf32>
    %lt3A_485 = arith.cmpf olt, %add3A_483, %min3A_468 : vector<128x256xf32>
    %jit3A_486 = arith.constant 29 : i32
    %broadcast_in_dim3A_487 = vector.broadcast %jit3A_486 : i32 to vector<128x256xi32>
    %select_n3A_488 = arith.select %lt3A_485, %broadcast_in_dim3A_487, %select_n3A_472 : vector<128x256xi1>, vector<128x256xi32>
    %get3A_489 = arith.constant 3840 : index
    %get3A_490 = arith.constant 0 : index
    %get3A_491 = vector.load %arg2[%get3A_489, %get3A_490] : memref<8192x32xbf16, #tpu.memory_space<vmem>>, vector<128x32xbf16>
    %dot_general3A_492 = arith.constant dense<0.000000e+00> : vector<128x256xf32>
    %dot_general3A_493 = tpu.matmul %get3A_491, %get3A_6, %dot_general3A_492 {dimension_numbers = #tpu.dot_dimension_numbers<[1], [0], [0], [1], [0, 0, 1, 1], [], []>, transpose_lhs_hint = false} : vector<128x32xbf16>, vector<32x256xbf16>, vector<128x256xf32> -> vector<128x256xf32>
    %get3A_494 = arith.constant 3840 : index
    %get3A_495 = arith.constant 0 : index
    %get3A_496 = vector.load %arg7[%get3A_494, %get3A_495] : memref<8192x256xf32, #tpu.memory_space<vmem>>, vector<128x256xf32>
    %add3A_497 = vector.broadcast %mul3A_10 : vector<1x256xf32> to vector<128x256xf32>
    %add3A_498 = arith.addf %get3A_496, %add3A_497 : vector<128x256xf32>
    %add3A_499 = arith.addf %add3A_498, %dot_general3A_493 : vector<128x256xf32>
    %min3A_500 = arith.minimumf %add3A_499, %min3A_484 : vector<128x256xf32>
    %lt3A_501 = arith.cmpf olt, %add3A_499, %min3A_484 : vector<128x256xf32>
    %jit3A_502 = arith.constant 30 : i32
    %broadcast_in_dim3A_503 = vector.broadcast %jit3A_502 : i32 to vector<128x256xi32>
    %select_n3A_504 = arith.select %lt3A_501, %broadcast_in_dim3A_503, %select_n3A_488 : vector<128x256xi1>, vector<128x256xi32>
    %get3A_505 = arith.constant 3968 : index
    %get3A_506 = arith.constant 0 : index
    %get3A_507 = vector.load %arg2[%get3A_505, %get3A_506] : memref<8192x32xbf16, #tpu.memory_space<vmem>>, vector<128x32xbf16>
    %dot_general3A_508 = arith.constant dense<0.000000e+00> : vector<128x256xf32>
    %dot_general3A_509 = tpu.matmul %get3A_507, %get3A_6, %dot_general3A_508 {dimension_numbers = #tpu.dot_dimension_numbers<[1], [0], [0], [1], [0, 0, 1, 1], [], []>, transpose_lhs_hint = false} : vector<128x32xbf16>, vector<32x256xbf16>, vector<128x256xf32> -> vector<128x256xf32>
    %get3A_510 = arith.constant 3968 : index
    %get3A_511 = arith.constant 0 : index
    %get3A_512 = vector.load %arg7[%get3A_510, %get3A_511] : memref<8192x256xf32, #tpu.memory_space<vmem>>, vector<128x256xf32>
    %add3A_513 = vector.broadcast %mul3A_10 : vector<1x256xf32> to vector<128x256xf32>
    %add3A_514 = arith.addf %get3A_512, %add3A_513 : vector<128x256xf32>
    %add3A_515 = arith.addf %add3A_514, %dot_general3A_509 : vector<128x256xf32>
    %min3A_516 = arith.minimumf %add3A_515, %min3A_500 : vector<128x256xf32>
    %lt3A_517 = arith.cmpf olt, %add3A_515, %min3A_500 : vector<128x256xf32>
    %jit3A_518 = arith.constant 31 : i32
    %broadcast_in_dim3A_519 = vector.broadcast %jit3A_518 : i32 to vector<128x256xi32>
    %select_n3A_520 = arith.select %lt3A_517, %broadcast_in_dim3A_519, %select_n3A_504 : vector<128x256xi1>, vector<128x256xi32>
    %get3A_521 = arith.constant 4096 : index
    %get3A_522 = arith.constant 0 : index
    %get3A_523 = vector.load %arg2[%get3A_521, %get3A_522] : memref<8192x32xbf16, #tpu.memory_space<vmem>>, vector<128x32xbf16>
    %dot_general3A_524 = arith.constant dense<0.000000e+00> : vector<128x256xf32>
    %dot_general3A_525 = tpu.matmul %get3A_523, %get3A_6, %dot_general3A_524 {dimension_numbers = #tpu.dot_dimension_numbers<[1], [0], [0], [1], [0, 0, 1, 1], [], []>, transpose_lhs_hint = false} : vector<128x32xbf16>, vector<32x256xbf16>, vector<128x256xf32> -> vector<128x256xf32>
    %get3A_526 = arith.constant 4096 : index
    %get3A_527 = arith.constant 0 : index
    %get3A_528 = vector.load %arg7[%get3A_526, %get3A_527] : memref<8192x256xf32, #tpu.memory_space<vmem>>, vector<128x256xf32>
    %add3A_529 = vector.broadcast %mul3A_10 : vector<1x256xf32> to vector<128x256xf32>
    %add3A_530 = arith.addf %get3A_528, %add3A_529 : vector<128x256xf32>
    %add3A_531 = arith.addf %add3A_530, %dot_general3A_525 : vector<128x256xf32>
    %min3A_532 = arith.minimumf %add3A_531, %min3A_516 : vector<128x256xf32>
    %lt3A_533 = arith.cmpf olt, %add3A_531, %min3A_516 : vector<128x256xf32>
    %jit3A_534 = arith.constant 32 : i32
    %broadcast_in_dim3A_535 = vector.broadcast %jit3A_534 : i32 to vector<128x256xi32>
    %select_n3A_536 = arith.select %lt3A_533, %broadcast_in_dim3A_535, %select_n3A_520 : vector<128x256xi1>, vector<128x256xi32>
    %get3A_537 = arith.constant 4224 : index
    %get3A_538 = arith.constant 0 : index
    %get3A_539 = vector.load %arg2[%get3A_537, %get3A_538] : memref<8192x32xbf16, #tpu.memory_space<vmem>>, vector<128x32xbf16>
    %dot_general3A_540 = arith.constant dense<0.000000e+00> : vector<128x256xf32>
    %dot_general3A_541 = tpu.matmul %get3A_539, %get3A_6, %dot_general3A_540 {dimension_numbers = #tpu.dot_dimension_numbers<[1], [0], [0], [1], [0, 0, 1, 1], [], []>, transpose_lhs_hint = false} : vector<128x32xbf16>, vector<32x256xbf16>, vector<128x256xf32> -> vector<128x256xf32>
    %get3A_542 = arith.constant 4224 : index
    %get3A_543 = arith.constant 0 : index
    %get3A_544 = vector.load %arg7[%get3A_542, %get3A_543] : memref<8192x256xf32, #tpu.memory_space<vmem>>, vector<128x256xf32>
    %add3A_545 = vector.broadcast %mul3A_10 : vector<1x256xf32> to vector<128x256xf32>
    %add3A_546 = arith.addf %get3A_544, %add3A_545 : vector<128x256xf32>
    %add3A_547 = arith.addf %add3A_546, %dot_general3A_541 : vector<128x256xf32>
    %min3A_548 = arith.minimumf %add3A_547, %min3A_532 : vector<128x256xf32>
    %lt3A_549 = arith.cmpf olt, %add3A_547, %min3A_532 : vector<128x256xf32>
    %jit3A_550 = arith.constant 33 : i32
    %broadcast_in_dim3A_551 = vector.broadcast %jit3A_550 : i32 to vector<128x256xi32>
    %select_n3A_552 = arith.select %lt3A_549, %broadcast_in_dim3A_551, %select_n3A_536 : vector<128x256xi1>, vector<128x256xi32>
    %get3A_553 = arith.constant 4352 : index
    %get3A_554 = arith.constant 0 : index
    %get3A_555 = vector.load %arg2[%get3A_553, %get3A_554] : memref<8192x32xbf16, #tpu.memory_space<vmem>>, vector<128x32xbf16>
    %dot_general3A_556 = arith.constant dense<0.000000e+00> : vector<128x256xf32>
    %dot_general3A_557 = tpu.matmul %get3A_555, %get3A_6, %dot_general3A_556 {dimension_numbers = #tpu.dot_dimension_numbers<[1], [0], [0], [1], [0, 0, 1, 1], [], []>, transpose_lhs_hint = false} : vector<128x32xbf16>, vector<32x256xbf16>, vector<128x256xf32> -> vector<128x256xf32>
    %get3A_558 = arith.constant 4352 : index
    %get3A_559 = arith.constant 0 : index
    %get3A_560 = vector.load %arg7[%get3A_558, %get3A_559] : memref<8192x256xf32, #tpu.memory_space<vmem>>, vector<128x256xf32>
    %add3A_561 = vector.broadcast %mul3A_10 : vector<1x256xf32> to vector<128x256xf32>
    %add3A_562 = arith.addf %get3A_560, %add3A_561 : vector<128x256xf32>
    %add3A_563 = arith.addf %add3A_562, %dot_general3A_557 : vector<128x256xf32>
    %min3A_564 = arith.minimumf %add3A_563, %min3A_548 : vector<128x256xf32>
    %lt3A_565 = arith.cmpf olt, %add3A_563, %min3A_548 : vector<128x256xf32>
    %jit3A_566 = arith.constant 34 : i32
    %broadcast_in_dim3A_567 = vector.broadcast %jit3A_566 : i32 to vector<128x256xi32>
    %select_n3A_568 = arith.select %lt3A_565, %broadcast_in_dim3A_567, %select_n3A_552 : vector<128x256xi1>, vector<128x256xi32>
    %get3A_569 = arith.constant 4480 : index
    %get3A_570 = arith.constant 0 : index
    %get3A_571 = vector.load %arg2[%get3A_569, %get3A_570] : memref<8192x32xbf16, #tpu.memory_space<vmem>>, vector<128x32xbf16>
    %dot_general3A_572 = arith.constant dense<0.000000e+00> : vector<128x256xf32>
    %dot_general3A_573 = tpu.matmul %get3A_571, %get3A_6, %dot_general3A_572 {dimension_numbers = #tpu.dot_dimension_numbers<[1], [0], [0], [1], [0, 0, 1, 1], [], []>, transpose_lhs_hint = false} : vector<128x32xbf16>, vector<32x256xbf16>, vector<128x256xf32> -> vector<128x256xf32>
    %get3A_574 = arith.constant 4480 : index
    %get3A_575 = arith.constant 0 : index
    %get3A_576 = vector.load %arg7[%get3A_574, %get3A_575] : memref<8192x256xf32, #tpu.memory_space<vmem>>, vector<128x256xf32>
    %add3A_577 = vector.broadcast %mul3A_10 : vector<1x256xf32> to vector<128x256xf32>
    %add3A_578 = arith.addf %get3A_576, %add3A_577 : vector<128x256xf32>
    %add3A_579 = arith.addf %add3A_578, %dot_general3A_573 : vector<128x256xf32>
    %min3A_580 = arith.minimumf %add3A_579, %min3A_564 : vector<128x256xf32>
    %lt3A_581 = arith.cmpf olt, %add3A_579, %min3A_564 : vector<128x256xf32>
    %jit3A_582 = arith.constant 35 : i32
    %broadcast_in_dim3A_583 = vector.broadcast %jit3A_582 : i32 to vector<128x256xi32>
    %select_n3A_584 = arith.select %lt3A_581, %broadcast_in_dim3A_583, %select_n3A_568 : vector<128x256xi1>, vector<128x256xi32>
    %get3A_585 = arith.constant 4608 : index
    %get3A_586 = arith.constant 0 : index
    %get3A_587 = vector.load %arg2[%get3A_585, %get3A_586] : memref<8192x32xbf16, #tpu.memory_space<vmem>>, vector<128x32xbf16>
    %dot_general3A_588 = arith.constant dense<0.000000e+00> : vector<128x256xf32>
    %dot_general3A_589 = tpu.matmul %get3A_587, %get3A_6, %dot_general3A_588 {dimension_numbers = #tpu.dot_dimension_numbers<[1], [0], [0], [1], [0, 0, 1, 1], [], []>, transpose_lhs_hint = false} : vector<128x32xbf16>, vector<32x256xbf16>, vector<128x256xf32> -> vector<128x256xf32>
    %get3A_590 = arith.constant 4608 : index
    %get3A_591 = arith.constant 0 : index
    %get3A_592 = vector.load %arg7[%get3A_590, %get3A_591] : memref<8192x256xf32, #tpu.memory_space<vmem>>, vector<128x256xf32>
    %add3A_593 = vector.broadcast %mul3A_10 : vector<1x256xf32> to vector<128x256xf32>
    %add3A_594 = arith.addf %get3A_592, %add3A_593 : vector<128x256xf32>
    %add3A_595 = arith.addf %add3A_594, %dot_general3A_589 : vector<128x256xf32>
    %min3A_596 = arith.minimumf %add3A_595, %min3A_580 : vector<128x256xf32>
    %lt3A_597 = arith.cmpf olt, %add3A_595, %min3A_580 : vector<128x256xf32>
    %jit3A_598 = arith.constant 36 : i32
    %broadcast_in_dim3A_599 = vector.broadcast %jit3A_598 : i32 to vector<128x256xi32>
    %select_n3A_600 = arith.select %lt3A_597, %broadcast_in_dim3A_599, %select_n3A_584 : vector<128x256xi1>, vector<128x256xi32>
    %get3A_601 = arith.constant 4736 : index
    %get3A_602 = arith.constant 0 : index
    %get3A_603 = vector.load %arg2[%get3A_601, %get3A_602] : memref<8192x32xbf16, #tpu.memory_space<vmem>>, vector<128x32xbf16>
    %dot_general3A_604 = arith.constant dense<0.000000e+00> : vector<128x256xf32>
    %dot_general3A_605 = tpu.matmul %get3A_603, %get3A_6, %dot_general3A_604 {dimension_numbers = #tpu.dot_dimension_numbers<[1], [0], [0], [1], [0, 0, 1, 1], [], []>, transpose_lhs_hint = false} : vector<128x32xbf16>, vector<32x256xbf16>, vector<128x256xf32> -> vector<128x256xf32>
    %get3A_606 = arith.constant 4736 : index
    %get3A_607 = arith.constant 0 : index
    %get3A_608 = vector.load %arg7[%get3A_606, %get3A_607] : memref<8192x256xf32, #tpu.memory_space<vmem>>, vector<128x256xf32>
    %add3A_609 = vector.broadcast %mul3A_10 : vector<1x256xf32> to vector<128x256xf32>
    %add3A_610 = arith.addf %get3A_608, %add3A_609 : vector<128x256xf32>
    %add3A_611 = arith.addf %add3A_610, %dot_general3A_605 : vector<128x256xf32>
    %min3A_612 = arith.minimumf %add3A_611, %min3A_596 : vector<128x256xf32>
    %lt3A_613 = arith.cmpf olt, %add3A_611, %min3A_596 : vector<128x256xf32>
    %jit3A_614 = arith.constant 37 : i32
    %broadcast_in_dim3A_615 = vector.broadcast %jit3A_614 : i32 to vector<128x256xi32>
    %select_n3A_616 = arith.select %lt3A_613, %broadcast_in_dim3A_615, %select_n3A_600 : vector<128x256xi1>, vector<128x256xi32>
    %get3A_617 = arith.constant 4864 : index
    %get3A_618 = arith.constant 0 : index
    %get3A_619 = vector.load %arg2[%get3A_617, %get3A_618] : memref<8192x32xbf16, #tpu.memory_space<vmem>>, vector<128x32xbf16>
    %dot_general3A_620 = arith.constant dense<0.000000e+00> : vector<128x256xf32>
    %dot_general3A_621 = tpu.matmul %get3A_619, %get3A_6, %dot_general3A_620 {dimension_numbers = #tpu.dot_dimension_numbers<[1], [0], [0], [1], [0, 0, 1, 1], [], []>, transpose_lhs_hint = false} : vector<128x32xbf16>, vector<32x256xbf16>, vector<128x256xf32> -> vector<128x256xf32>
    %get3A_622 = arith.constant 4864 : index
    %get3A_623 = arith.constant 0 : index
    %get3A_624 = vector.load %arg7[%get3A_622, %get3A_623] : memref<8192x256xf32, #tpu.memory_space<vmem>>, vector<128x256xf32>
    %add3A_625 = vector.broadcast %mul3A_10 : vector<1x256xf32> to vector<128x256xf32>
    %add3A_626 = arith.addf %get3A_624, %add3A_625 : vector<128x256xf32>
    %add3A_627 = arith.addf %add3A_626, %dot_general3A_621 : vector<128x256xf32>
    %min3A_628 = arith.minimumf %add3A_627, %min3A_612 : vector<128x256xf32>
    %lt3A_629 = arith.cmpf olt, %add3A_627, %min3A_612 : vector<128x256xf32>
    %jit3A_630 = arith.constant 38 : i32
    %broadcast_in_dim3A_631 = vector.broadcast %jit3A_630 : i32 to vector<128x256xi32>
    %select_n3A_632 = arith.select %lt3A_629, %broadcast_in_dim3A_631, %select_n3A_616 : vector<128x256xi1>, vector<128x256xi32>
    %get3A_633 = arith.constant 4992 : index
    %get3A_634 = arith.constant 0 : index
    %get3A_635 = vector.load %arg2[%get3A_633, %get3A_634] : memref<8192x32xbf16, #tpu.memory_space<vmem>>, vector<128x32xbf16>
    %dot_general3A_636 = arith.constant dense<0.000000e+00> : vector<128x256xf32>
    %dot_general3A_637 = tpu.matmul %get3A_635, %get3A_6, %dot_general3A_636 {dimension_numbers = #tpu.dot_dimension_numbers<[1], [0], [0], [1], [0, 0, 1, 1], [], []>, transpose_lhs_hint = false} : vector<128x32xbf16>, vector<32x256xbf16>, vector<128x256xf32> -> vector<128x256xf32>
    %get3A_638 = arith.constant 4992 : index
    %get3A_639 = arith.constant 0 : index
    %get3A_640 = vector.load %arg7[%get3A_638, %get3A_639] : memref<8192x256xf32, #tpu.memory_space<vmem>>, vector<128x256xf32>
    %add3A_641 = vector.broadcast %mul3A_10 : vector<1x256xf32> to vector<128x256xf32>
    %add3A_642 = arith.addf %get3A_640, %add3A_641 : vector<128x256xf32>
    %add3A_643 = arith.addf %add3A_642, %dot_general3A_637 : vector<128x256xf32>
    %min3A_644 = arith.minimumf %add3A_643, %min3A_628 : vector<128x256xf32>
    %lt3A_645 = arith.cmpf olt, %add3A_643, %min3A_628 : vector<128x256xf32>
    %jit3A_646 = arith.constant 39 : i32
    %broadcast_in_dim3A_647 = vector.broadcast %jit3A_646 : i32 to vector<128x256xi32>
    %select_n3A_648 = arith.select %lt3A_645, %broadcast_in_dim3A_647, %select_n3A_632 : vector<128x256xi1>, vector<128x256xi32>
    %get3A_649 = arith.constant 5120 : index
    %get3A_650 = arith.constant 0 : index
    %get3A_651 = vector.load %arg2[%get3A_649, %get3A_650] : memref<8192x32xbf16, #tpu.memory_space<vmem>>, vector<128x32xbf16>
    %dot_general3A_652 = arith.constant dense<0.000000e+00> : vector<128x256xf32>
    %dot_general3A_653 = tpu.matmul %get3A_651, %get3A_6, %dot_general3A_652 {dimension_numbers = #tpu.dot_dimension_numbers<[1], [0], [0], [1], [0, 0, 1, 1], [], []>, transpose_lhs_hint = false} : vector<128x32xbf16>, vector<32x256xbf16>, vector<128x256xf32> -> vector<128x256xf32>
    %get3A_654 = arith.constant 5120 : index
    %get3A_655 = arith.constant 0 : index
    %get3A_656 = vector.load %arg7[%get3A_654, %get3A_655] : memref<8192x256xf32, #tpu.memory_space<vmem>>, vector<128x256xf32>
    %add3A_657 = vector.broadcast %mul3A_10 : vector<1x256xf32> to vector<128x256xf32>
    %add3A_658 = arith.addf %get3A_656, %add3A_657 : vector<128x256xf32>
    %add3A_659 = arith.addf %add3A_658, %dot_general3A_653 : vector<128x256xf32>
    %min3A_660 = arith.minimumf %add3A_659, %min3A_644 : vector<128x256xf32>
    %lt3A_661 = arith.cmpf olt, %add3A_659, %min3A_644 : vector<128x256xf32>
    %jit3A_662 = arith.constant 40 : i32
    %broadcast_in_dim3A_663 = vector.broadcast %jit3A_662 : i32 to vector<128x256xi32>
    %select_n3A_664 = arith.select %lt3A_661, %broadcast_in_dim3A_663, %select_n3A_648 : vector<128x256xi1>, vector<128x256xi32>
    %get3A_665 = arith.constant 5248 : index
    %get3A_666 = arith.constant 0 : index
    %get3A_667 = vector.load %arg2[%get3A_665, %get3A_666] : memref<8192x32xbf16, #tpu.memory_space<vmem>>, vector<128x32xbf16>
    %dot_general3A_668 = arith.constant dense<0.000000e+00> : vector<128x256xf32>
    %dot_general3A_669 = tpu.matmul %get3A_667, %get3A_6, %dot_general3A_668 {dimension_numbers = #tpu.dot_dimension_numbers<[1], [0], [0], [1], [0, 0, 1, 1], [], []>, transpose_lhs_hint = false} : vector<128x32xbf16>, vector<32x256xbf16>, vector<128x256xf32> -> vector<128x256xf32>
    %get3A_670 = arith.constant 5248 : index
    %get3A_671 = arith.constant 0 : index
    %get3A_672 = vector.load %arg7[%get3A_670, %get3A_671] : memref<8192x256xf32, #tpu.memory_space<vmem>>, vector<128x256xf32>
    %add3A_673 = vector.broadcast %mul3A_10 : vector<1x256xf32> to vector<128x256xf32>
    %add3A_674 = arith.addf %get3A_672, %add3A_673 : vector<128x256xf32>
    %add3A_675 = arith.addf %add3A_674, %dot_general3A_669 : vector<128x256xf32>
    %min3A_676 = arith.minimumf %add3A_675, %min3A_660 : vector<128x256xf32>
    %lt3A_677 = arith.cmpf olt, %add3A_675, %min3A_660 : vector<128x256xf32>
    %jit3A_678 = arith.constant 41 : i32
    %broadcast_in_dim3A_679 = vector.broadcast %jit3A_678 : i32 to vector<128x256xi32>
    %select_n3A_680 = arith.select %lt3A_677, %broadcast_in_dim3A_679, %select_n3A_664 : vector<128x256xi1>, vector<128x256xi32>
    %get3A_681 = arith.constant 5376 : index
    %get3A_682 = arith.constant 0 : index
    %get3A_683 = vector.load %arg2[%get3A_681, %get3A_682] : memref<8192x32xbf16, #tpu.memory_space<vmem>>, vector<128x32xbf16>
    %dot_general3A_684 = arith.constant dense<0.000000e+00> : vector<128x256xf32>
    %dot_general3A_685 = tpu.matmul %get3A_683, %get3A_6, %dot_general3A_684 {dimension_numbers = #tpu.dot_dimension_numbers<[1], [0], [0], [1], [0, 0, 1, 1], [], []>, transpose_lhs_hint = false} : vector<128x32xbf16>, vector<32x256xbf16>, vector<128x256xf32> -> vector<128x256xf32>
    %get3A_686 = arith.constant 5376 : index
    %get3A_687 = arith.constant 0 : index
    %get3A_688 = vector.load %arg7[%get3A_686, %get3A_687] : memref<8192x256xf32, #tpu.memory_space<vmem>>, vector<128x256xf32>
    %add3A_689 = vector.broadcast %mul3A_10 : vector<1x256xf32> to vector<128x256xf32>
    %add3A_690 = arith.addf %get3A_688, %add3A_689 : vector<128x256xf32>
    %add3A_691 = arith.addf %add3A_690, %dot_general3A_685 : vector<128x256xf32>
    %min3A_692 = arith.minimumf %add3A_691, %min3A_676 : vector<128x256xf32>
    %lt3A_693 = arith.cmpf olt, %add3A_691, %min3A_676 : vector<128x256xf32>
    %jit3A_694 = arith.constant 42 : i32
    %broadcast_in_dim3A_695 = vector.broadcast %jit3A_694 : i32 to vector<128x256xi32>
    %select_n3A_696 = arith.select %lt3A_693, %broadcast_in_dim3A_695, %select_n3A_680 : vector<128x256xi1>, vector<128x256xi32>
    %get3A_697 = arith.constant 5504 : index
    %get3A_698 = arith.constant 0 : index
    %get3A_699 = vector.load %arg2[%get3A_697, %get3A_698] : memref<8192x32xbf16, #tpu.memory_space<vmem>>, vector<128x32xbf16>
    %dot_general3A_700 = arith.constant dense<0.000000e+00> : vector<128x256xf32>
    %dot_general3A_701 = tpu.matmul %get3A_699, %get3A_6, %dot_general3A_700 {dimension_numbers = #tpu.dot_dimension_numbers<[1], [0], [0], [1], [0, 0, 1, 1], [], []>, transpose_lhs_hint = false} : vector<128x32xbf16>, vector<32x256xbf16>, vector<128x256xf32> -> vector<128x256xf32>
    %get3A_702 = arith.constant 5504 : index
    %get3A_703 = arith.constant 0 : index
    %get3A_704 = vector.load %arg7[%get3A_702, %get3A_703] : memref<8192x256xf32, #tpu.memory_space<vmem>>, vector<128x256xf32>
    %add3A_705 = vector.broadcast %mul3A_10 : vector<1x256xf32> to vector<128x256xf32>
    %add3A_706 = arith.addf %get3A_704, %add3A_705 : vector<128x256xf32>
    %add3A_707 = arith.addf %add3A_706, %dot_general3A_701 : vector<128x256xf32>
    %min3A_708 = arith.minimumf %add3A_707, %min3A_692 : vector<128x256xf32>
    %lt3A_709 = arith.cmpf olt, %add3A_707, %min3A_692 : vector<128x256xf32>
    %jit3A_710 = arith.constant 43 : i32
    %broadcast_in_dim3A_711 = vector.broadcast %jit3A_710 : i32 to vector<128x256xi32>
    %select_n3A_712 = arith.select %lt3A_709, %broadcast_in_dim3A_711, %select_n3A_696 : vector<128x256xi1>, vector<128x256xi32>
    %get3A_713 = arith.constant 5632 : index
    %get3A_714 = arith.constant 0 : index
    %get3A_715 = vector.load %arg2[%get3A_713, %get3A_714] : memref<8192x32xbf16, #tpu.memory_space<vmem>>, vector<128x32xbf16>
    %dot_general3A_716 = arith.constant dense<0.000000e+00> : vector<128x256xf32>
    %dot_general3A_717 = tpu.matmul %get3A_715, %get3A_6, %dot_general3A_716 {dimension_numbers = #tpu.dot_dimension_numbers<[1], [0], [0], [1], [0, 0, 1, 1], [], []>, transpose_lhs_hint = false} : vector<128x32xbf16>, vector<32x256xbf16>, vector<128x256xf32> -> vector<128x256xf32>
    %get3A_718 = arith.constant 5632 : index
    %get3A_719 = arith.constant 0 : index
    %get3A_720 = vector.load %arg7[%get3A_718, %get3A_719] : memref<8192x256xf32, #tpu.memory_space<vmem>>, vector<128x256xf32>
    %add3A_721 = vector.broadcast %mul3A_10 : vector<1x256xf32> to vector<128x256xf32>
    %add3A_722 = arith.addf %get3A_720, %add3A_721 : vector<128x256xf32>
    %add3A_723 = arith.addf %add3A_722, %dot_general3A_717 : vector<128x256xf32>
    %min3A_724 = arith.minimumf %add3A_723, %min3A_708 : vector<128x256xf32>
    %lt3A_725 = arith.cmpf olt, %add3A_723, %min3A_708 : vector<128x256xf32>
    %jit3A_726 = arith.constant 44 : i32
    %broadcast_in_dim3A_727 = vector.broadcast %jit3A_726 : i32 to vector<128x256xi32>
    %select_n3A_728 = arith.select %lt3A_725, %broadcast_in_dim3A_727, %select_n3A_712 : vector<128x256xi1>, vector<128x256xi32>
    %get3A_729 = arith.constant 5760 : index
    %get3A_730 = arith.constant 0 : index
    %get3A_731 = vector.load %arg2[%get3A_729, %get3A_730] : memref<8192x32xbf16, #tpu.memory_space<vmem>>, vector<128x32xbf16>
    %dot_general3A_732 = arith.constant dense<0.000000e+00> : vector<128x256xf32>
    %dot_general3A_733 = tpu.matmul %get3A_731, %get3A_6, %dot_general3A_732 {dimension_numbers = #tpu.dot_dimension_numbers<[1], [0], [0], [1], [0, 0, 1, 1], [], []>, transpose_lhs_hint = false} : vector<128x32xbf16>, vector<32x256xbf16>, vector<128x256xf32> -> vector<128x256xf32>
    %get3A_734 = arith.constant 5760 : index
    %get3A_735 = arith.constant 0 : index
    %get3A_736 = vector.load %arg7[%get3A_734, %get3A_735] : memref<8192x256xf32, #tpu.memory_space<vmem>>, vector<128x256xf32>
    %add3A_737 = vector.broadcast %mul3A_10 : vector<1x256xf32> to vector<128x256xf32>
    %add3A_738 = arith.addf %get3A_736, %add3A_737 : vector<128x256xf32>
    %add3A_739 = arith.addf %add3A_738, %dot_general3A_733 : vector<128x256xf32>
    %min3A_740 = arith.minimumf %add3A_739, %min3A_724 : vector<128x256xf32>
    %lt3A_741 = arith.cmpf olt, %add3A_739, %min3A_724 : vector<128x256xf32>
    %jit3A_742 = arith.constant 45 : i32
    %broadcast_in_dim3A_743 = vector.broadcast %jit3A_742 : i32 to vector<128x256xi32>
    %select_n3A_744 = arith.select %lt3A_741, %broadcast_in_dim3A_743, %select_n3A_728 : vector<128x256xi1>, vector<128x256xi32>
    %get3A_745 = arith.constant 5888 : index
    %get3A_746 = arith.constant 0 : index
    %get3A_747 = vector.load %arg2[%get3A_745, %get3A_746] : memref<8192x32xbf16, #tpu.memory_space<vmem>>, vector<128x32xbf16>
    %dot_general3A_748 = arith.constant dense<0.000000e+00> : vector<128x256xf32>
    %dot_general3A_749 = tpu.matmul %get3A_747, %get3A_6, %dot_general3A_748 {dimension_numbers = #tpu.dot_dimension_numbers<[1], [0], [0], [1], [0, 0, 1, 1], [], []>, transpose_lhs_hint = false} : vector<128x32xbf16>, vector<32x256xbf16>, vector<128x256xf32> -> vector<128x256xf32>
    %get3A_750 = arith.constant 5888 : index
    %get3A_751 = arith.constant 0 : index
    %get3A_752 = vector.load %arg7[%get3A_750, %get3A_751] : memref<8192x256xf32, #tpu.memory_space<vmem>>, vector<128x256xf32>
    %add3A_753 = vector.broadcast %mul3A_10 : vector<1x256xf32> to vector<128x256xf32>
    %add3A_754 = arith.addf %get3A_752, %add3A_753 : vector<128x256xf32>
    %add3A_755 = arith.addf %add3A_754, %dot_general3A_749 : vector<128x256xf32>
    %min3A_756 = arith.minimumf %add3A_755, %min3A_740 : vector<128x256xf32>
    %lt3A_757 = arith.cmpf olt, %add3A_755, %min3A_740 : vector<128x256xf32>
    %jit3A_758 = arith.constant 46 : i32
    %broadcast_in_dim3A_759 = vector.broadcast %jit3A_758 : i32 to vector<128x256xi32>
    %select_n3A_760 = arith.select %lt3A_757, %broadcast_in_dim3A_759, %select_n3A_744 : vector<128x256xi1>, vector<128x256xi32>
    %get3A_761 = arith.constant 6016 : index
    %get3A_762 = arith.constant 0 : index
    %get3A_763 = vector.load %arg2[%get3A_761, %get3A_762] : memref<8192x32xbf16, #tpu.memory_space<vmem>>, vector<128x32xbf16>
    %dot_general3A_764 = arith.constant dense<0.000000e+00> : vector<128x256xf32>
    %dot_general3A_765 = tpu.matmul %get3A_763, %get3A_6, %dot_general3A_764 {dimension_numbers = #tpu.dot_dimension_numbers<[1], [0], [0], [1], [0, 0, 1, 1], [], []>, transpose_lhs_hint = false} : vector<128x32xbf16>, vector<32x256xbf16>, vector<128x256xf32> -> vector<128x256xf32>
    %get3A_766 = arith.constant 6016 : index
    %get3A_767 = arith.constant 0 : index
    %get3A_768 = vector.load %arg7[%get3A_766, %get3A_767] : memref<8192x256xf32, #tpu.memory_space<vmem>>, vector<128x256xf32>
    %add3A_769 = vector.broadcast %mul3A_10 : vector<1x256xf32> to vector<128x256xf32>
    %add3A_770 = arith.addf %get3A_768, %add3A_769 : vector<128x256xf32>
    %add3A_771 = arith.addf %add3A_770, %dot_general3A_765 : vector<128x256xf32>
    %min3A_772 = arith.minimumf %add3A_771, %min3A_756 : vector<128x256xf32>
    %lt3A_773 = arith.cmpf olt, %add3A_771, %min3A_756 : vector<128x256xf32>
    %jit3A_774 = arith.constant 47 : i32
    %broadcast_in_dim3A_775 = vector.broadcast %jit3A_774 : i32 to vector<128x256xi32>
    %select_n3A_776 = arith.select %lt3A_773, %broadcast_in_dim3A_775, %select_n3A_760 : vector<128x256xi1>, vector<128x256xi32>
    %get3A_777 = arith.constant 6144 : index
    %get3A_778 = arith.constant 0 : index
    %get3A_779 = vector.load %arg2[%get3A_777, %get3A_778] : memref<8192x32xbf16, #tpu.memory_space<vmem>>, vector<128x32xbf16>
    %dot_general3A_780 = arith.constant dense<0.000000e+00> : vector<128x256xf32>
    %dot_general3A_781 = tpu.matmul %get3A_779, %get3A_6, %dot_general3A_780 {dimension_numbers = #tpu.dot_dimension_numbers<[1], [0], [0], [1], [0, 0, 1, 1], [], []>, transpose_lhs_hint = false} : vector<128x32xbf16>, vector<32x256xbf16>, vector<128x256xf32> -> vector<128x256xf32>
    %get3A_782 = arith.constant 6144 : index
    %get3A_783 = arith.constant 0 : index
    %get3A_784 = vector.load %arg7[%get3A_782, %get3A_783] : memref<8192x256xf32, #tpu.memory_space<vmem>>, vector<128x256xf32>
    %add3A_785 = vector.broadcast %mul3A_10 : vector<1x256xf32> to vector<128x256xf32>
    %add3A_786 = arith.addf %get3A_784, %add3A_785 : vector<128x256xf32>
    %add3A_787 = arith.addf %add3A_786, %dot_general3A_781 : vector<128x256xf32>
    %min3A_788 = arith.minimumf %add3A_787, %min3A_772 : vector<128x256xf32>
    %lt3A_789 = arith.cmpf olt, %add3A_787, %min3A_772 : vector<128x256xf32>
    %jit3A_790 = arith.constant 48 : i32
    %broadcast_in_dim3A_791 = vector.broadcast %jit3A_790 : i32 to vector<128x256xi32>
    %select_n3A_792 = arith.select %lt3A_789, %broadcast_in_dim3A_791, %select_n3A_776 : vector<128x256xi1>, vector<128x256xi32>
    %get3A_793 = arith.constant 6272 : index
    %get3A_794 = arith.constant 0 : index
    %get3A_795 = vector.load %arg2[%get3A_793, %get3A_794] : memref<8192x32xbf16, #tpu.memory_space<vmem>>, vector<128x32xbf16>
    %dot_general3A_796 = arith.constant dense<0.000000e+00> : vector<128x256xf32>
    %dot_general3A_797 = tpu.matmul %get3A_795, %get3A_6, %dot_general3A_796 {dimension_numbers = #tpu.dot_dimension_numbers<[1], [0], [0], [1], [0, 0, 1, 1], [], []>, transpose_lhs_hint = false} : vector<128x32xbf16>, vector<32x256xbf16>, vector<128x256xf32> -> vector<128x256xf32>
    %get3A_798 = arith.constant 6272 : index
    %get3A_799 = arith.constant 0 : index
    %get3A_800 = vector.load %arg7[%get3A_798, %get3A_799] : memref<8192x256xf32, #tpu.memory_space<vmem>>, vector<128x256xf32>
    %add3A_801 = vector.broadcast %mul3A_10 : vector<1x256xf32> to vector<128x256xf32>
    %add3A_802 = arith.addf %get3A_800, %add3A_801 : vector<128x256xf32>
    %add3A_803 = arith.addf %add3A_802, %dot_general3A_797 : vector<128x256xf32>
    %min3A_804 = arith.minimumf %add3A_803, %min3A_788 : vector<128x256xf32>
    %lt3A_805 = arith.cmpf olt, %add3A_803, %min3A_788 : vector<128x256xf32>
    %jit3A_806 = arith.constant 49 : i32
    %broadcast_in_dim3A_807 = vector.broadcast %jit3A_806 : i32 to vector<128x256xi32>
    %select_n3A_808 = arith.select %lt3A_805, %broadcast_in_dim3A_807, %select_n3A_792 : vector<128x256xi1>, vector<128x256xi32>
    %get3A_809 = arith.constant 6400 : index
    %get3A_810 = arith.constant 0 : index
    %get3A_811 = vector.load %arg2[%get3A_809, %get3A_810] : memref<8192x32xbf16, #tpu.memory_space<vmem>>, vector<128x32xbf16>
    %dot_general3A_812 = arith.constant dense<0.000000e+00> : vector<128x256xf32>
    %dot_general3A_813 = tpu.matmul %get3A_811, %get3A_6, %dot_general3A_812 {dimension_numbers = #tpu.dot_dimension_numbers<[1], [0], [0], [1], [0, 0, 1, 1], [], []>, transpose_lhs_hint = false} : vector<128x32xbf16>, vector<32x256xbf16>, vector<128x256xf32> -> vector<128x256xf32>
    %get3A_814 = arith.constant 6400 : index
    %get3A_815 = arith.constant 0 : index
    %get3A_816 = vector.load %arg7[%get3A_814, %get3A_815] : memref<8192x256xf32, #tpu.memory_space<vmem>>, vector<128x256xf32>
    %add3A_817 = vector.broadcast %mul3A_10 : vector<1x256xf32> to vector<128x256xf32>
    %add3A_818 = arith.addf %get3A_816, %add3A_817 : vector<128x256xf32>
    %add3A_819 = arith.addf %add3A_818, %dot_general3A_813 : vector<128x256xf32>
    %min3A_820 = arith.minimumf %add3A_819, %min3A_804 : vector<128x256xf32>
    %lt3A_821 = arith.cmpf olt, %add3A_819, %min3A_804 : vector<128x256xf32>
    %jit3A_822 = arith.constant 50 : i32
    %broadcast_in_dim3A_823 = vector.broadcast %jit3A_822 : i32 to vector<128x256xi32>
    %select_n3A_824 = arith.select %lt3A_821, %broadcast_in_dim3A_823, %select_n3A_808 : vector<128x256xi1>, vector<128x256xi32>
    %get3A_825 = arith.constant 6528 : index
    %get3A_826 = arith.constant 0 : index
    %get3A_827 = vector.load %arg2[%get3A_825, %get3A_826] : memref<8192x32xbf16, #tpu.memory_space<vmem>>, vector<128x32xbf16>
    %dot_general3A_828 = arith.constant dense<0.000000e+00> : vector<128x256xf32>
    %dot_general3A_829 = tpu.matmul %get3A_827, %get3A_6, %dot_general3A_828 {dimension_numbers = #tpu.dot_dimension_numbers<[1], [0], [0], [1], [0, 0, 1, 1], [], []>, transpose_lhs_hint = false} : vector<128x32xbf16>, vector<32x256xbf16>, vector<128x256xf32> -> vector<128x256xf32>
    %get3A_830 = arith.constant 6528 : index
    %get3A_831 = arith.constant 0 : index
    %get3A_832 = vector.load %arg7[%get3A_830, %get3A_831] : memref<8192x256xf32, #tpu.memory_space<vmem>>, vector<128x256xf32>
    %add3A_833 = vector.broadcast %mul3A_10 : vector<1x256xf32> to vector<128x256xf32>
    %add3A_834 = arith.addf %get3A_832, %add3A_833 : vector<128x256xf32>
    %add3A_835 = arith.addf %add3A_834, %dot_general3A_829 : vector<128x256xf32>
    %min3A_836 = arith.minimumf %add3A_835, %min3A_820 : vector<128x256xf32>
    %lt3A_837 = arith.cmpf olt, %add3A_835, %min3A_820 : vector<128x256xf32>
    %jit3A_838 = arith.constant 51 : i32
    %broadcast_in_dim3A_839 = vector.broadcast %jit3A_838 : i32 to vector<128x256xi32>
    %select_n3A_840 = arith.select %lt3A_837, %broadcast_in_dim3A_839, %select_n3A_824 : vector<128x256xi1>, vector<128x256xi32>
    %get3A_841 = arith.constant 6656 : index
    %get3A_842 = arith.constant 0 : index
    %get3A_843 = vector.load %arg2[%get3A_841, %get3A_842] : memref<8192x32xbf16, #tpu.memory_space<vmem>>, vector<128x32xbf16>
    %dot_general3A_844 = arith.constant dense<0.000000e+00> : vector<128x256xf32>
    %dot_general3A_845 = tpu.matmul %get3A_843, %get3A_6, %dot_general3A_844 {dimension_numbers = #tpu.dot_dimension_numbers<[1], [0], [0], [1], [0, 0, 1, 1], [], []>, transpose_lhs_hint = false} : vector<128x32xbf16>, vector<32x256xbf16>, vector<128x256xf32> -> vector<128x256xf32>
    %get3A_846 = arith.constant 6656 : index
    %get3A_847 = arith.constant 0 : index
    %get3A_848 = vector.load %arg7[%get3A_846, %get3A_847] : memref<8192x256xf32, #tpu.memory_space<vmem>>, vector<128x256xf32>
    %add3A_849 = vector.broadcast %mul3A_10 : vector<1x256xf32> to vector<128x256xf32>
    %add3A_850 = arith.addf %get3A_848, %add3A_849 : vector<128x256xf32>
    %add3A_851 = arith.addf %add3A_850, %dot_general3A_845 : vector<128x256xf32>
    %min3A_852 = arith.minimumf %add3A_851, %min3A_836 : vector<128x256xf32>
    %lt3A_853 = arith.cmpf olt, %add3A_851, %min3A_836 : vector<128x256xf32>
    %jit3A_854 = arith.constant 52 : i32
    %broadcast_in_dim3A_855 = vector.broadcast %jit3A_854 : i32 to vector<128x256xi32>
    %select_n3A_856 = arith.select %lt3A_853, %broadcast_in_dim3A_855, %select_n3A_840 : vector<128x256xi1>, vector<128x256xi32>
    %get3A_857 = arith.constant 6784 : index
    %get3A_858 = arith.constant 0 : index
    %get3A_859 = vector.load %arg2[%get3A_857, %get3A_858] : memref<8192x32xbf16, #tpu.memory_space<vmem>>, vector<128x32xbf16>
    %dot_general3A_860 = arith.constant dense<0.000000e+00> : vector<128x256xf32>
    %dot_general3A_861 = tpu.matmul %get3A_859, %get3A_6, %dot_general3A_860 {dimension_numbers = #tpu.dot_dimension_numbers<[1], [0], [0], [1], [0, 0, 1, 1], [], []>, transpose_lhs_hint = false} : vector<128x32xbf16>, vector<32x256xbf16>, vector<128x256xf32> -> vector<128x256xf32>
    %get3A_862 = arith.constant 6784 : index
    %get3A_863 = arith.constant 0 : index
    %get3A_864 = vector.load %arg7[%get3A_862, %get3A_863] : memref<8192x256xf32, #tpu.memory_space<vmem>>, vector<128x256xf32>
    %add3A_865 = vector.broadcast %mul3A_10 : vector<1x256xf32> to vector<128x256xf32>
    %add3A_866 = arith.addf %get3A_864, %add3A_865 : vector<128x256xf32>
    %add3A_867 = arith.addf %add3A_866, %dot_general3A_861 : vector<128x256xf32>
    %min3A_868 = arith.minimumf %add3A_867, %min3A_852 : vector<128x256xf32>
    %lt3A_869 = arith.cmpf olt, %add3A_867, %min3A_852 : vector<128x256xf32>
    %jit3A_870 = arith.constant 53 : i32
    %broadcast_in_dim3A_871 = vector.broadcast %jit3A_870 : i32 to vector<128x256xi32>
    %select_n3A_872 = arith.select %lt3A_869, %broadcast_in_dim3A_871, %select_n3A_856 : vector<128x256xi1>, vector<128x256xi32>
    %get3A_873 = arith.constant 6912 : index
    %get3A_874 = arith.constant 0 : index
    %get3A_875 = vector.load %arg2[%get3A_873, %get3A_874] : memref<8192x32xbf16, #tpu.memory_space<vmem>>, vector<128x32xbf16>
    %dot_general3A_876 = arith.constant dense<0.000000e+00> : vector<128x256xf32>
    %dot_general3A_877 = tpu.matmul %get3A_875, %get3A_6, %dot_general3A_876 {dimension_numbers = #tpu.dot_dimension_numbers<[1], [0], [0], [1], [0, 0, 1, 1], [], []>, transpose_lhs_hint = false} : vector<128x32xbf16>, vector<32x256xbf16>, vector<128x256xf32> -> vector<128x256xf32>
    %get3A_878 = arith.constant 6912 : index
    %get3A_879 = arith.constant 0 : index
    %get3A_880 = vector.load %arg7[%get3A_878, %get3A_879] : memref<8192x256xf32, #tpu.memory_space<vmem>>, vector<128x256xf32>
    %add3A_881 = vector.broadcast %mul3A_10 : vector<1x256xf32> to vector<128x256xf32>
    %add3A_882 = arith.addf %get3A_880, %add3A_881 : vector<128x256xf32>
    %add3A_883 = arith.addf %add3A_882, %dot_general3A_877 : vector<128x256xf32>
    %min3A_884 = arith.minimumf %add3A_883, %min3A_868 : vector<128x256xf32>
    %lt3A_885 = arith.cmpf olt, %add3A_883, %min3A_868 : vector<128x256xf32>
    %jit3A_886 = arith.constant 54 : i32
    %broadcast_in_dim3A_887 = vector.broadcast %jit3A_886 : i32 to vector<128x256xi32>
    %select_n3A_888 = arith.select %lt3A_885, %broadcast_in_dim3A_887, %select_n3A_872 : vector<128x256xi1>, vector<128x256xi32>
    %get3A_889 = arith.constant 7040 : index
    %get3A_890 = arith.constant 0 : index
    %get3A_891 = vector.load %arg2[%get3A_889, %get3A_890] : memref<8192x32xbf16, #tpu.memory_space<vmem>>, vector<128x32xbf16>
    %dot_general3A_892 = arith.constant dense<0.000000e+00> : vector<128x256xf32>
    %dot_general3A_893 = tpu.matmul %get3A_891, %get3A_6, %dot_general3A_892 {dimension_numbers = #tpu.dot_dimension_numbers<[1], [0], [0], [1], [0, 0, 1, 1], [], []>, transpose_lhs_hint = false} : vector<128x32xbf16>, vector<32x256xbf16>, vector<128x256xf32> -> vector<128x256xf32>
    %get3A_894 = arith.constant 7040 : index
    %get3A_895 = arith.constant 0 : index
    %get3A_896 = vector.load %arg7[%get3A_894, %get3A_895] : memref<8192x256xf32, #tpu.memory_space<vmem>>, vector<128x256xf32>
    %add3A_897 = vector.broadcast %mul3A_10 : vector<1x256xf32> to vector<128x256xf32>
    %add3A_898 = arith.addf %get3A_896, %add3A_897 : vector<128x256xf32>
    %add3A_899 = arith.addf %add3A_898, %dot_general3A_893 : vector<128x256xf32>
    %min3A_900 = arith.minimumf %add3A_899, %min3A_884 : vector<128x256xf32>
    %lt3A_901 = arith.cmpf olt, %add3A_899, %min3A_884 : vector<128x256xf32>
    %jit3A_902 = arith.constant 55 : i32
    %broadcast_in_dim3A_903 = vector.broadcast %jit3A_902 : i32 to vector<128x256xi32>
    %select_n3A_904 = arith.select %lt3A_901, %broadcast_in_dim3A_903, %select_n3A_888 : vector<128x256xi1>, vector<128x256xi32>
    %get3A_905 = arith.constant 7168 : index
    %get3A_906 = arith.constant 0 : index
    %get3A_907 = vector.load %arg2[%get3A_905, %get3A_906] : memref<8192x32xbf16, #tpu.memory_space<vmem>>, vector<128x32xbf16>
    %dot_general3A_908 = arith.constant dense<0.000000e+00> : vector<128x256xf32>
    %dot_general3A_909 = tpu.matmul %get3A_907, %get3A_6, %dot_general3A_908 {dimension_numbers = #tpu.dot_dimension_numbers<[1], [0], [0], [1], [0, 0, 1, 1], [], []>, transpose_lhs_hint = false} : vector<128x32xbf16>, vector<32x256xbf16>, vector<128x256xf32> -> vector<128x256xf32>
    %get3A_910 = arith.constant 7168 : index
    %get3A_911 = arith.constant 0 : index
    %get3A_912 = vector.load %arg7[%get3A_910, %get3A_911] : memref<8192x256xf32, #tpu.memory_space<vmem>>, vector<128x256xf32>
    %add3A_913 = vector.broadcast %mul3A_10 : vector<1x256xf32> to vector<128x256xf32>
    %add3A_914 = arith.addf %get3A_912, %add3A_913 : vector<128x256xf32>
    %add3A_915 = arith.addf %add3A_914, %dot_general3A_909 : vector<128x256xf32>
    %min3A_916 = arith.minimumf %add3A_915, %min3A_900 : vector<128x256xf32>
    %lt3A_917 = arith.cmpf olt, %add3A_915, %min3A_900 : vector<128x256xf32>
    %jit3A_918 = arith.constant 56 : i32
    %broadcast_in_dim3A_919 = vector.broadcast %jit3A_918 : i32 to vector<128x256xi32>
    %select_n3A_920 = arith.select %lt3A_917, %broadcast_in_dim3A_919, %select_n3A_904 : vector<128x256xi1>, vector<128x256xi32>
    %get3A_921 = arith.constant 7296 : index
    %get3A_922 = arith.constant 0 : index
    %get3A_923 = vector.load %arg2[%get3A_921, %get3A_922] : memref<8192x32xbf16, #tpu.memory_space<vmem>>, vector<128x32xbf16>
    %dot_general3A_924 = arith.constant dense<0.000000e+00> : vector<128x256xf32>
    %dot_general3A_925 = tpu.matmul %get3A_923, %get3A_6, %dot_general3A_924 {dimension_numbers = #tpu.dot_dimension_numbers<[1], [0], [0], [1], [0, 0, 1, 1], [], []>, transpose_lhs_hint = false} : vector<128x32xbf16>, vector<32x256xbf16>, vector<128x256xf32> -> vector<128x256xf32>
    %get3A_926 = arith.constant 7296 : index
    %get3A_927 = arith.constant 0 : index
    %get3A_928 = vector.load %arg7[%get3A_926, %get3A_927] : memref<8192x256xf32, #tpu.memory_space<vmem>>, vector<128x256xf32>
    %add3A_929 = vector.broadcast %mul3A_10 : vector<1x256xf32> to vector<128x256xf32>
    %add3A_930 = arith.addf %get3A_928, %add3A_929 : vector<128x256xf32>
    %add3A_931 = arith.addf %add3A_930, %dot_general3A_925 : vector<128x256xf32>
    %min3A_932 = arith.minimumf %add3A_931, %min3A_916 : vector<128x256xf32>
    %lt3A_933 = arith.cmpf olt, %add3A_931, %min3A_916 : vector<128x256xf32>
    %jit3A_934 = arith.constant 57 : i32
    %broadcast_in_dim3A_935 = vector.broadcast %jit3A_934 : i32 to vector<128x256xi32>
    %select_n3A_936 = arith.select %lt3A_933, %broadcast_in_dim3A_935, %select_n3A_920 : vector<128x256xi1>, vector<128x256xi32>
    %get3A_937 = arith.constant 7424 : index
    %get3A_938 = arith.constant 0 : index
    %get3A_939 = vector.load %arg2[%get3A_937, %get3A_938] : memref<8192x32xbf16, #tpu.memory_space<vmem>>, vector<128x32xbf16>
    %dot_general3A_940 = arith.constant dense<0.000000e+00> : vector<128x256xf32>
    %dot_general3A_941 = tpu.matmul %get3A_939, %get3A_6, %dot_general3A_940 {dimension_numbers = #tpu.dot_dimension_numbers<[1], [0], [0], [1], [0, 0, 1, 1], [], []>, transpose_lhs_hint = false} : vector<128x32xbf16>, vector<32x256xbf16>, vector<128x256xf32> -> vector<128x256xf32>
    %get3A_942 = arith.constant 7424 : index
    %get3A_943 = arith.constant 0 : index
    %get3A_944 = vector.load %arg7[%get3A_942, %get3A_943] : memref<8192x256xf32, #tpu.memory_space<vmem>>, vector<128x256xf32>
    %add3A_945 = vector.broadcast %mul3A_10 : vector<1x256xf32> to vector<128x256xf32>
    %add3A_946 = arith.addf %get3A_944, %add3A_945 : vector<128x256xf32>
    %add3A_947 = arith.addf %add3A_946, %dot_general3A_941 : vector<128x256xf32>
    %min3A_948 = arith.minimumf %add3A_947, %min3A_932 : vector<128x256xf32>
    %lt3A_949 = arith.cmpf olt, %add3A_947, %min3A_932 : vector<128x256xf32>
    %jit3A_950 = arith.constant 58 : i32
    %broadcast_in_dim3A_951 = vector.broadcast %jit3A_950 : i32 to vector<128x256xi32>
    %select_n3A_952 = arith.select %lt3A_949, %broadcast_in_dim3A_951, %select_n3A_936 : vector<128x256xi1>, vector<128x256xi32>
    %get3A_953 = arith.constant 7552 : index
    %get3A_954 = arith.constant 0 : index
    %get3A_955 = vector.load %arg2[%get3A_953, %get3A_954] : memref<8192x32xbf16, #tpu.memory_space<vmem>>, vector<128x32xbf16>
    %dot_general3A_956 = arith.constant dense<0.000000e+00> : vector<128x256xf32>
    %dot_general3A_957 = tpu.matmul %get3A_955, %get3A_6, %dot_general3A_956 {dimension_numbers = #tpu.dot_dimension_numbers<[1], [0], [0], [1], [0, 0, 1, 1], [], []>, transpose_lhs_hint = false} : vector<128x32xbf16>, vector<32x256xbf16>, vector<128x256xf32> -> vector<128x256xf32>
    %get3A_958 = arith.constant 7552 : index
    %get3A_959 = arith.constant 0 : index
    %get3A_960 = vector.load %arg7[%get3A_958, %get3A_959] : memref<8192x256xf32, #tpu.memory_space<vmem>>, vector<128x256xf32>
    %add3A_961 = vector.broadcast %mul3A_10 : vector<1x256xf32> to vector<128x256xf32>
    %add3A_962 = arith.addf %get3A_960, %add3A_961 : vector<128x256xf32>
    %add3A_963 = arith.addf %add3A_962, %dot_general3A_957 : vector<128x256xf32>
    %min3A_964 = arith.minimumf %add3A_963, %min3A_948 : vector<128x256xf32>
    %lt3A_965 = arith.cmpf olt, %add3A_963, %min3A_948 : vector<128x256xf32>
    %jit3A_966 = arith.constant 59 : i32
    %broadcast_in_dim3A_967 = vector.broadcast %jit3A_966 : i32 to vector<128x256xi32>
    %select_n3A_968 = arith.select %lt3A_965, %broadcast_in_dim3A_967, %select_n3A_952 : vector<128x256xi1>, vector<128x256xi32>
    %get3A_969 = arith.constant 7680 : index
    %get3A_970 = arith.constant 0 : index
    %get3A_971 = vector.load %arg2[%get3A_969, %get3A_970] : memref<8192x32xbf16, #tpu.memory_space<vmem>>, vector<128x32xbf16>
    %dot_general3A_972 = arith.constant dense<0.000000e+00> : vector<128x256xf32>
    %dot_general3A_973 = tpu.matmul %get3A_971, %get3A_6, %dot_general3A_972 {dimension_numbers = #tpu.dot_dimension_numbers<[1], [0], [0], [1], [0, 0, 1, 1], [], []>, transpose_lhs_hint = false} : vector<128x32xbf16>, vector<32x256xbf16>, vector<128x256xf32> -> vector<128x256xf32>
    %get3A_974 = arith.constant 7680 : index
    %get3A_975 = arith.constant 0 : index
    %get3A_976 = vector.load %arg7[%get3A_974, %get3A_975] : memref<8192x256xf32, #tpu.memory_space<vmem>>, vector<128x256xf32>
    %add3A_977 = vector.broadcast %mul3A_10 : vector<1x256xf32> to vector<128x256xf32>
    %add3A_978 = arith.addf %get3A_976, %add3A_977 : vector<128x256xf32>
    %add3A_979 = arith.addf %add3A_978, %dot_general3A_973 : vector<128x256xf32>
    %min3A_980 = arith.minimumf %add3A_979, %min3A_964 : vector<128x256xf32>
    %lt3A_981 = arith.cmpf olt, %add3A_979, %min3A_964 : vector<128x256xf32>
    %jit3A_982 = arith.constant 60 : i32
    %broadcast_in_dim3A_983 = vector.broadcast %jit3A_982 : i32 to vector<128x256xi32>
    %select_n3A_984 = arith.select %lt3A_981, %broadcast_in_dim3A_983, %select_n3A_968 : vector<128x256xi1>, vector<128x256xi32>
    %get3A_985 = arith.constant 7808 : index
    %get3A_986 = arith.constant 0 : index
    %get3A_987 = vector.load %arg2[%get3A_985, %get3A_986] : memref<8192x32xbf16, #tpu.memory_space<vmem>>, vector<128x32xbf16>
    %dot_general3A_988 = arith.constant dense<0.000000e+00> : vector<128x256xf32>
    %dot_general3A_989 = tpu.matmul %get3A_987, %get3A_6, %dot_general3A_988 {dimension_numbers = #tpu.dot_dimension_numbers<[1], [0], [0], [1], [0, 0, 1, 1], [], []>, transpose_lhs_hint = false} : vector<128x32xbf16>, vector<32x256xbf16>, vector<128x256xf32> -> vector<128x256xf32>
    %get3A_990 = arith.constant 7808 : index
    %get3A_991 = arith.constant 0 : index
    %get3A_992 = vector.load %arg7[%get3A_990, %get3A_991] : memref<8192x256xf32, #tpu.memory_space<vmem>>, vector<128x256xf32>
    %add3A_993 = vector.broadcast %mul3A_10 : vector<1x256xf32> to vector<128x256xf32>
    %add3A_994 = arith.addf %get3A_992, %add3A_993 : vector<128x256xf32>
    %add3A_995 = arith.addf %add3A_994, %dot_general3A_989 : vector<128x256xf32>
    %min3A_996 = arith.minimumf %add3A_995, %min3A_980 : vector<128x256xf32>
    %lt3A_997 = arith.cmpf olt, %add3A_995, %min3A_980 : vector<128x256xf32>
    %jit3A_998 = arith.constant 61 : i32
    %broadcast_in_dim3A_999 = vector.broadcast %jit3A_998 : i32 to vector<128x256xi32>
    %select_n3A_1000 = arith.select %lt3A_997, %broadcast_in_dim3A_999, %select_n3A_984 : vector<128x256xi1>, vector<128x256xi32>
    %get3A_1001 = arith.constant 7936 : index
    %get3A_1002 = arith.constant 0 : index
    %get3A_1003 = vector.load %arg2[%get3A_1001, %get3A_1002] : memref<8192x32xbf16, #tpu.memory_space<vmem>>, vector<128x32xbf16>
    %dot_general3A_1004 = arith.constant dense<0.000000e+00> : vector<128x256xf32>
    %dot_general3A_1005 = tpu.matmul %get3A_1003, %get3A_6, %dot_general3A_1004 {dimension_numbers = #tpu.dot_dimension_numbers<[1], [0], [0], [1], [0, 0, 1, 1], [], []>, transpose_lhs_hint = false} : vector<128x32xbf16>, vector<32x256xbf16>, vector<128x256xf32> -> vector<128x256xf32>
    %get3A_1006 = arith.constant 7936 : index
    %get3A_1007 = arith.constant 0 : index
    %get3A_1008 = vector.load %arg7[%get3A_1006, %get3A_1007] : memref<8192x256xf32, #tpu.memory_space<vmem>>, vector<128x256xf32>
    %add3A_1009 = vector.broadcast %mul3A_10 : vector<1x256xf32> to vector<128x256xf32>
    %add3A_1010 = arith.addf %get3A_1008, %add3A_1009 : vector<128x256xf32>
    %add3A_1011 = arith.addf %add3A_1010, %dot_general3A_1005 : vector<128x256xf32>
    %min3A_1012 = arith.minimumf %add3A_1011, %min3A_996 : vector<128x256xf32>
    %lt3A_1013 = arith.cmpf olt, %add3A_1011, %min3A_996 : vector<128x256xf32>
    %jit3A_1014 = arith.constant 62 : i32
    %broadcast_in_dim3A_1015 = vector.broadcast %jit3A_1014 : i32 to vector<128x256xi32>
    %select_n3A_1016 = arith.select %lt3A_1013, %broadcast_in_dim3A_1015, %select_n3A_1000 : vector<128x256xi1>, vector<128x256xi32>
    %get3A_1017 = arith.constant 8064 : index
    %get3A_1018 = arith.constant 0 : index
    %get3A_1019 = vector.load %arg2[%get3A_1017, %get3A_1018] : memref<8192x32xbf16, #tpu.memory_space<vmem>>, vector<128x32xbf16>
    %dot_general3A_1020 = arith.constant dense<0.000000e+00> : vector<128x256xf32>
    %dot_general3A_1021 = tpu.matmul %get3A_1019, %get3A_6, %dot_general3A_1020 {dimension_numbers = #tpu.dot_dimension_numbers<[1], [0], [0], [1], [0, 0, 1, 1], [], []>, transpose_lhs_hint = false} : vector<128x32xbf16>, vector<32x256xbf16>, vector<128x256xf32> -> vector<128x256xf32>
    %get3A_1022 = arith.constant 8064 : index
    %get3A_1023 = arith.constant 0 : index
    %get3A_1024 = vector.load %arg7[%get3A_1022, %get3A_1023] : memref<8192x256xf32, #tpu.memory_space<vmem>>, vector<128x256xf32>
    %add3A_1025 = vector.broadcast %mul3A_10 : vector<1x256xf32> to vector<128x256xf32>
    %add3A_1026 = arith.addf %get3A_1024, %add3A_1025 : vector<128x256xf32>
    %add3A_1027 = arith.addf %add3A_1026, %dot_general3A_1021 : vector<128x256xf32>
    %min3A_1028 = arith.minimumf %add3A_1027, %min3A_1012 : vector<128x256xf32>
    %lt3A_1029 = arith.cmpf olt, %add3A_1027, %min3A_1012 : vector<128x256xf32>
    %jit3A_1030 = arith.constant 63 : i32
    %broadcast_in_dim3A_1031 = vector.broadcast %jit3A_1030 : i32 to vector<128x256xi32>
    %select_n3A_1032 = arith.select %lt3A_1029, %broadcast_in_dim3A_1031, %select_n3A_1016 : vector<128x256xi1>, vector<128x256xi32>
    %mul3A_1033 = arith.constant 128 : i32
    %mul3A_1034 = vector.broadcast %mul3A_1033 : i32 to vector<128x256xi32>
    %mul3A_1035 = arith.muli %select_n3A_1032, %mul3A_1034 : vector<128x256xi32>
    %iota3A = tpu.iota {dimensions = array<i32: 0>} : vector<128x256xi32>
    %add3A_1036 = arith.addi %mul3A_1035, %iota3A : vector<128x256xi32>
    %reduce_min3A = arith.constant dense<0x7F800000> : vector<256xf32>
    %reduce_min3A_1037 = vector.multi_reduction <minimumf>, %min3A_1028, %reduce_min3A [0] : vector<128x256xf32> to vector<256xf32>
    %broadcast_in_dim3A_1038 = vector.shape_cast %reduce_min3A_1037 : vector<256xf32> to vector<1x256xf32>
    %eq3A_1039 = vector.broadcast %broadcast_in_dim3A_1038 : vector<1x256xf32> to vector<128x256xf32>
    %eq3A_1040 = arith.cmpf oeq, %min3A_1028, %eq3A_1039 : vector<128x256xf32>
    %jit3A_1041 = arith.constant 8192 : i32
    %broadcast_in_dim3A_1042 = vector.broadcast %jit3A_1041 : i32 to vector<128x256xi32>
    %select_n3A_1043 = arith.select %eq3A_1040, %add3A_1036, %broadcast_in_dim3A_1042 : vector<128x256xi1>, vector<128x256xi32>
    %reduce_min3A_1044 = arith.constant dense<2147483647> : vector<256xi32>
    %reduce_min3A_1045 = vector.multi_reduction <minsi>, %select_n3A_1043, %reduce_min3A_1044 [0] : vector<128x256xi32> to vector<256xi32>
    %broadcast_in_dim3A_1046 = vector.shape_cast %reduce_min3A_1045 : vector<256xi32> to vector<1x256xi32>
    %max3A = arith.constant 0.000000e+00 : f32
    %max3A_1047 = vector.broadcast %max3A : f32 to vector<1x256xf32>
    %max3A_1048 = arith.maximumf %broadcast_in_dim3A_1038, %max3A_1047 : vector<1x256xf32>
    %swap3A = arith.constant 0 : index
    %swap3A_1049 = arith.constant 0 : index
    %swap3A_1050 = arith.constant 0 : index
    %swap3A_1051 = vector.load %arg5[%swap3A, %swap3A_1049, %swap3A_1050] : memref<1x1x256xf32, #tpu.memory_space<vmem>>, vector<1x1x256xf32>
    %swap3A_1052 = vector.shape_cast %swap3A_1051 : vector<1x1x256xf32> to vector<1x256xf32>
    %swap3A_1053 = vector.shape_cast %max3A_1048 : vector<1x256xf32> to vector<1x1x256xf32>
    tpu.vector_store %arg5[%swap3A, %swap3A_1049, %swap3A_1050], %swap3A_1053 {strides = array<i32>} : memref<1x1x256xf32, #tpu.memory_space<vmem>>, vector<1x1x256xf32>,
    %swap3A_1054 = arith.constant 0 : index
    %swap3A_1055 = arith.constant 0 : index
    %swap3A_1056 = arith.constant 0 : index
    %swap3A_1057 = vector.load %arg6[%swap3A_1054, %swap3A_1055, %swap3A_1056] : memref<1x1x256xi32, #tpu.memory_space<vmem>>, vector<1x1x256xi32>
    %swap3A_1058 = vector.shape_cast %swap3A_1057 : vector<1x1x256xi32> to vector<1x256xi32>
    %swap3A_1059 = vector.shape_cast %broadcast_in_dim3A_1046 : vector<1x256xi32> to vector<1x1x256xi32>
    tpu.vector_store %arg6[%swap3A_1054, %swap3A_1055, %swap3A_1056], %swap3A_1059 {strides = array<i32>} : memref<1x1x256xi32, #tpu.memory_space<vmem>>, vector<1x1x256xi32>,
    return
  }
  func.func @transform_0(%arg0: i32) -> (i32, i32) {
    %c0_i32 = arith.constant 0 : i32
    %c0_i32_0 = arith.constant 0 : i32
    %c0_i32_1 = arith.constant 0 : i32
    return %c0_i32, %c0_i32_0 : i32, i32
  }
  func.func @transform_1(%arg0: i32) -> (i32, i32) {
    %c0_i32 = arith.constant 0 : i32
    %c0_i32_0 = arith.constant 0 : i32
    %c0_i32_1 = arith.constant 0 : i32
    return %c0_i32, %c0_i32_0 : i32, i32
  }
  func.func @transform_2(%arg0: i32) -> (i32, i32) {
    %c0_i32 = arith.constant 0 : i32
    %c0_i32_0 = arith.constant 0 : i32
    return %c0_i32, %arg0 : i32, i32
  }
  func.func @transform_3(%arg0: i32) -> (i32, i32) {
    %c0_i32 = arith.constant 0 : i32
    %c0_i32_0 = arith.constant 0 : i32
    return %c0_i32, %arg0 : i32, i32
  }
  func.func @transform_4(%arg0: i32) -> (i32, i32, i32) {
    %c0_i32 = arith.constant 0 : i32
    %c0_i32_0 = arith.constant 0 : i32
    %c0_i32_1 = arith.constant 0 : i32
    return %arg0, %c0_i32, %c0_i32_0 : i32, i32, i32
  }
  func.func @transform_5(%arg0: i32) -> (i32, i32, i32) {
    %c0_i32 = arith.constant 0 : i32
    %c0_i32_0 = arith.constant 0 : i32
    %c0_i32_1 = arith.constant 0 : i32
    return %arg0, %c0_i32, %c0_i32_0 : i32, i32, i32
  }
}

</mosaic_0001>

<sc_bundles>
// kernel: kernel.4.cloned.1.call-start
scs
__scs_entry_jumppad:
0x0: {  	(pc) =	sbr.rel $0x88, $3  }
0x1: {  	(tag) =	ssettag $0x0;
	lr =	simm.s32 $0x1  }
0x2: {  	[smem:$0x3F9F] =	sst lr;
	_ =	strace $0xD0000000  }
0x3: {  	_ = 	snop  }
0x4: {  	_ = 	snop  }
0x5: {  	_ = 	snop  }
0x6: {  	_ = 	snop  }
0x7: {  	_ = 	snop  }
__scs_overlays_trampoline_lowered:
0x8: {  	[smem:$0x3FAE] =	sst s0  }
0x9: {  	[smem:$0x3FAF] =	sst s1  }
0xa: {  	[smem:$0x3FB0] =	sst s2  }
0xb: {  	[smem:$0x3FB1] =	sst s3  }
0xc: {  	[smem:$0x3FB2] =	sst s4  }
0xd: {  	[smem:$0x3FB3] =	sst s5  }
0xe: {  	[smem:$0x3FB4] =	sst s6  }
0xf: {  	[smem:$0x3FB5] =	sst s7  }
0x10: {  	[smem:$0x3FB6] =	sst s8  }
0x11: {  	[smem:$0x3FB7] =	sst s9;
	s0 =	simm.s32 @!p0 $0x0  }
0x12: {  	s1 =	sld [smem:$0x3F9D];
	s0 =	simm.s32 @p0 $0x1  }
0x13: {  	[smem:$0x3FB8] =	sst s0;
	s0 =	simm.s32 @!p1 $0x0  }
0x14: {  	s2 =	sld [smem:$0x3F9C];
	s0 =	simm.s32 @p1 $0x1  }
0x15: {  	[smem:$0x3FB9] =	sst s0;
	s0 =	simm.s32 @!p2 $0x0  }
0x16: {  	s3 =	sld [smem:$0x3FDB];
	s0 =	simm.s32 @p2 $0x1  }
0x17: {  	s4 =	simm.s32 $0x1BF5;
	[smem:$0x3FBB] =	sst s0  }
0x18: {  	s0 =	sld [smem:$0x3F9E];
	_ =	swait.ge [sflag:s4], $0x0  }
0x19: {  	s7 =	sld [smem:$0x3F9F]  }
0x1a: {  	s8 =	sadd.s32 $0xFFFFE003, lr  }
0x1b: {  	s9 =	sadd.s32 $0xFFFFFEF7, lr;
	s5 =	simm.s32 $0xFFFFFFFF;
	p2 =	slt.u32 s8, $0xFFFFF086  }
0x1c: {  	p1 =	slt.u32 s9, $0xF7A;
	s5 =	simm.s32 @!p2 $0x0  }
0x1d: {  	s5 =	simm.s32 @p1 $0x1;
	p0 =	seq.s32 s7, s2  }
0x1e: {  	s7 =	smul.u32 @!p0 $0xF7A, s2;
	p2 =	seq.s32 @!p0 s5, $0x0  }
0x1f: {  	s9 =	smul.u32 $0xF7A, s1;
	s8 =	simm.s32 @!p0 $0x1BF5;
	p2 =	por !p2, p0  }
0x20: {  	[sflag:s8] =	ssyncset.s32 @!p0 $0xFFFFF086;
	s6 =	sadd.s32 @!p0 s3, s7;
	s7 =	simm.s32 @!p0 $0x108  }
0x21: {  	s3 =	sadd.s32 s3, s9;
	s6 =	sadd.s32 @!p0 $0x88, s6;
	s7 =	simm.s32 @p2 $0x1082  }
0x22: {  	[simem:s7], [sflag:s8] =	dma.local @!p0 [hbm:s6], $0xF7A  }
0x23: {  	s9 =	sor.u32 $0xD0000000, s2;
	s6 =	simm.s32 $0x108;
	_ =	swait.ge @!p0 [sflag:s8], $0x0  }
0x24: {  	s3 =	sadd.s32 $0x88, s3;
	s6 =	simm.s32 @!p1 $0x1082;
	[sflag:s4] =	ssyncset.s32 $0xFFFFF086  }
0x25: {  	[simem:s6], [sflag:s4] =	dma.local [hbm:s3], $0xF7A  }
0x26: {  	[smem:$0x3F9F] =	sst s1;
	(tag) =	ssettag s2;
	_ =	strace s9  }
0x27: {  	s1 =	sld [smem:$0x3FAF]  }
0x28: {  	s2 =	sld [smem:$0x3FB0]  }
0x29: {  	s4 =	sld [smem:$0x3FB2]  }
0x2a: {  	p0 =	seq.s32 s5, $0x0;
	s5 =	sld [smem:$0x3FB3]  }
0x2b: {  	s6 =	sld [smem:$0x3FB4]  }
0x2c: {  	s7 =	sld [smem:$0x3FB5]  }
0x2d: {  	s3 =	simm.s32 $0x108;
	s8 =	sld [smem:$0x3FB6]  }
0x2e: {  	s3 =	simm.s32 @!p0 $0x1082;
	s9 =	sld [smem:$0x3FB7]  }
0x2f: {  	lr =	sadd.s32 s0, s3;
	s0 =	sld [smem:$0x3FAE]  }
0x30: {  	s3 =	sld [smem:$0x3FB1]  }
0x31: {  	[smem:$0x3FBA] =	sst s10  }
0x32: {  	s10 =	sld [smem:$0x3FB8];
	_ =	sdelay $0x3  }
0x33: {  	p0 =	seq.s32 s10, $0x1;
	s10 =	sld [smem:$0x3FBA];
	_ =	sdelay $0x3  }
0x34: {  	[smem:$0x3FBA] =	sst s10  }
0x35: {  	s10 =	sld [smem:$0x3FB9];
	_ =	sdelay $0x3  }
0x36: {  	p1 =	seq.s32 s10, $0x1;
	s10 =	sld [smem:$0x3FBA];
	_ =	sdelay $0x3  }
0x37: {  	[smem:$0x3FBA] =	sst s10  }
0x38: {  	s10 =	sld [smem:$0x3FBB]  }
0x39: {  	_ = 	snop;
	(pc) =	sbr.ind lr, $3  }
0x3a: {  	_ = 	snop  }
0x3b: {  	_ = 	snop  }
0x3c: {  	p2 =	seq.s32 s10, $0x1;
	s10 =	sld [smem:$0x3FBA]  }
0x3d: {  	_ =	shalt  }
0x3e: {  	_ =	shalt  }
0x3f: {  	_ =	shalt  }
0x40: {  	_ =	shalt  }
0x41: {  	_ =	shalt  }
0x42: {  	_ =	shalt  }
0x43: {  	_ =	shalt  }
0x44: {  	_ =	shalt  }
0x45: {  	_ =	shalt  }
0x46: {  	_ =	shalt  }
0x47: {  	_ =	shalt  }
0x48: {  	_ =	shalt  }
0x49: {  	_ =	shalt  }
0x4a: {  	_ =	shalt  }
0x4b: {  	_ =	shalt  }
0x4c: {  	_ =	shalt  }
0x4d: {  	_ =	shalt  }
0x4e: {  	_ =	shalt  }
0x4f: {  	_ =	shalt  }
0x50: {  	_ =	shalt  }
0x51: {  	_ =	shalt  }
0x52: {  	_ =	shalt  }
0x53: {  	_ =	shalt  }
0x54: {  	_ =	shalt  }
0x55: {  	_ =	shalt  }
0x56: {  	_ =	shalt  }
0x57: {  	_ =	shalt  }
0x58: {  	_ =	shalt  }
0x59: {  	_ =	shalt  }
0x5a: {  	_ =	shalt  }
0x5b: {  	_ =	shalt  }
0x5c: {  	_ =	shalt  }
0x5d: {  	_ =	shalt  }
0x5e: {  	_ =	shalt  }
0x5f: {  	_ =	shalt  }
0x60: {  	_ =	shalt  }
0x61: {  	_ =	shalt  }
0x62: {  	_ =	shalt  }
0x63: {  	_ =	shalt  }
0x64: {  	_ =	shalt  }
0x65: {  	_ =	shalt  }
0x66: {  	_ =	shalt  }
0x67: {  	_ =	shalt  }
0x68: {  	_ =	shalt  }
0x69: {  	_ =	shalt  }
0x6a: {  	_ =	shalt  }
0x6b: {  	_ =	shalt  }
0x6c: {  	_ =	shalt  }
0x6d: {  	_ =	shalt  }
0x6e: {  	_ =	shalt  }
0x6f: {  	_ =	shalt  }
0x70: {  	_ =	shalt  }
0x71: {  	_ =	shalt  }
0x72: {  	_ =	shalt  }
0x73: {  	_ =	shalt  }
0x74: {  	_ =	shalt  }
0x75: {  	_ =	shalt  }
0x76: {  	_ =	shalt  }
0x77: {  	_ =	shalt  }
0x78: {  	_ =	shalt  }
0x79: {  	_ =	shalt  }
0x7a: {  	_ =	shalt  }
0x7b: {  	_ =	shalt  }
0x7c: {  	_ =	shalt  }
0x7d: {  	_ =	shalt  }
0x7e: {  	_ =	shalt  }
0x7f: {  	_ =	shalt  }
0x80: {  	_ =	shalt  }
0x81: {  	_ =	shalt  }
0x82: {  	_ =	shalt  }
0x83: {  	_ =	shalt  }
0x84: {  	_ =	shalt  }
0x85: {  	_ =	shalt  }
0x86: {  	_ =	shalt  }
0x87: {  	_ =	shalt  }
.Lfunc_end0:
.L_simem_size_0:
called_computation_lowered:
.L_overlay_start_0:
0x88: {  	s2 =	sld [smem:$0x3FD9]  }
0x89: {  	s3 =	sld [smem:$0x3FFE];
	_ =	sdelay $0x1  }
0x8a: {  	s1 =	srdreg.scid  }
0x8b: {  	s0 =	sand.u32 $0x1, s1  }
0x8c: {  	s14 =	sshll.u32 s0, $0xA;
	s2 =	sadd.s32 s3, s2  }
0x8d: {  	s2 =	sadd.s32 s2, s14  }
0x8e: {  	[smem:$0x3FC6] =	sst s2  }
0x8f: {  	_ = 	snop  }
0x90: {  	s2 =	sld [smem:$0x3FD0];
	_ =	sdelay $0x2  }
0x91: {  	s15 =	simm.s32 $0xA;
	s4 =	simm.s32 $0x10  }
0x92: {  	[smem:s4], [sflag:s15] =	dma.local [hbm:s2], $0x1  }
0x93: {  	_ =	swait.eq [sflag:s15], $0x1  }
0x94: {  	[sflag:s15] =	ssyncset.done $0x0  }
0x95: {  	s16 =	sld [smem:$0x10];
	[sflag:s15] =	ssyncadd.s32 $0xFFFFFFFF  }
0x96: {  	s17 =	sld [smem:$0x11];
	(tm) =	ssettm $0x1  }
0x97: {  	s18 =	sld [smem:$0x3FFB];
	_ =	sdelay $0x3  }
0x98: {  	_ =	strace s18  }
0x99: {  	s4 =	sld [smem:$0x3FFC];
	_ =	sdelay $0x3  }
0x9a: {  	_ =	strace s4  }
0x9b: {  	s4 =	sld [smem:$0x3FFD];
	_ =	sdelay $0x3  }
0x9c: {  	_ =	strace s4  }
0x9d: {  	_ =	strace $0x8FFFFFFF  }
0x9e: {  	s19 =	sld [smem:$0x3FDB];
	_ =	sdelay $0x1  }
0x9f: {  	s5 =	simm.s32 $_scs_section_size  }
0xa0: {  	s6 =	simm.s32 $_size__tile_overlayer_lowered;
	s7 =	simm.s32 $_tile_overlayer_lowered  }
0xa1: {  	s22 =	simm.s32 $0x1BFF;
	s21 =	sshll.u32 s7, $0x1;
	s4 =	sadd.s32 s5, s19  }
0xa2: {  	s8 =	simm.s32 $0x0;
	s20 =	sshll.u32 s6, $0x1;
	s6 =	sadd.s32 s21, s4  }
0xa3: {  	[timem:s8], [sflag:s22] =	dma.local [hbm:s6], s20  }
0xa4: {  	_ =	swait.ge [sflag:s22], s20  }
0xa5: {  	s5 =	ssub.s32 $0x0, s20;
	[sflag:s22] =	ssyncset.done $0x0  }
0xa6: {  	[sflag:s22] =	ssyncadd.s32 s5;
	_ =	sdelay $0x1  }
0xa7: {  	s23 =	simm.s32 $0x1B8B  }
0xa8: {  	_ =	swait.ge [sflag:s23], $0x1  }
0xa9: {  	[sflag:s23] =	ssyncset.done $0x0  }
0xaa: {  	s25 =	simm.s32 $0x1B8E;
	s24 =	sld [smem:$0x3FFE];
	[sflag:s23] =	ssyncadd.s32 $0xFFFFFFFF  }
0xab: {  	s26 =	simm.s32 $execute0_lowered;
	[smem:$0x3FD2] =	sst s25  }
0xac: {  	s6 =	sshll.u32 s26, $0x1;
	_ =	strace $0x80000046;
	[dreg:$0x1] =	wrdreg $0xFFFFFFFF  }
0xad: {  	s28 =	simm.s32 $_size_execute0_lowered;
	s4 =	sadd.s32 s4, s6;
	[dreg:$0x0] =	wrdreg $0x0  }
0xae: {  	s6 =	sshll.u32 s28, $0x1;
	[dreg:$0x2] =	wrdreg s4  }
0xaf: {  	[dreg:$0x3] =	wrdreg s6  }
0xb0: {  	[dreg:$0x4] =	wrdreg $0xC0  }
0xb1: {  	_ =	task [dreg:s8], $0x5FFFF  }
0xb2: {  	[dreg:$0x1] =	wrdreg $0xFFFFFFFF  }
0xb3: {  	[dreg:$0x0] =	wrdreg $0x60  }
0xb4: {  	[dreg:$0x2] =	wrdreg s16  }
0xb5: {  	[dreg:$0x3] =	wrdreg s17  }
0xb6: {  	[dreg:$0x4] =	wrdreg s24  }
0xb7: {  	[dreg:$0x5] =	wrdreg $0x9  }
0xb8: {  	_ =	task.clear_ibuf [dreg:s8], $0x6FFFF;
	_ =	strace $0x90000046  }
0xb9: {  	s29 =	simm.s32 $0x9;
	_ =	strace $0x80000048  }
0xba: {  	_ =	swait.ge [sflag:s29], $0x1  }
0xbb: {  	[sflag:s29] =	ssyncadd.s32 $0xFFFFFFFF  }
0xbc: {  	_ =	strace $0x90000048  }
0xbd: {  	_ =	sfence  }
0xbe: {  	s30 =	sld [smem:$0x0];
	_ =	sdelay $0x2  }
0xbf: {  	s31 =	sshll.u32 s1, $0xD;
	s1 =	sshrl.u32 s1, $0x2  }
0xc0: {  	s3 =	sand.u32 $0x4000, s31;
	s1 =	sadd.s32 s1, s30  }
0xc1: {  	s0 =	sor.u32 s3, s0;
	s1 =	sshll.u32 s1, $0x11  }
0xc2: {  	s0 =	sor.u32 s1, s0  }
0xc3: {  	s0 =	sadd.s32 $0x8F2B, s0  }
0xc4: {  	[sflag:s0] =	ssyncadd.remote.s32 $0x1  }
0xc5: {  	_ =	sfence.sel $0xFFFF  }
0xc6: {  	[dreg:$0x0] =	wrdreg $0xFFFFFFFF;
	(pc) =	sbr.abs _section_cstart, $3  }
0xc7: {  	[dreg:$0x1] =	wrdreg $0xFFFFFFFF  }
0xc8: {  	_ =	task.clear_ibuf [dreg:s8], $0x2FFFF;
	_ =	strace $0x9FFFFFFF  }
0xc9: {  	(tm) =	ssettm $0x7FFFFFFF  }
tec
execute0_lowered:
.L_overlay_start_1:
0x0: {  	(tag) =	ssettag $0x1  }
0x1: {  	s1 =	rddreg [dreg:$0x0];
	s2 =	srdreg.scid  }
0x2: {  	s4 =	rddreg [dreg:$0x1];
	s0 =	stileid.u32  }
0x3: {  	s8 =	rddreg [dreg:$0x2];
	s3 =	simm.s32 $0x0;
	s6 =	sand.u32 $0x1, s2  }
0x4: {  	s5 =	sshll.u32 s0, $0x9;
	s2 =	rddreg [dreg:$0x3];
	s7 =	sshll.u32 s6, $0x8  }
0x5: {  	[smem:$0x7FF] =	sst s3;
	s9 =	sor.u32 s7, s5  }
0x6: {  	_ =	strace $0x80000047;
	s10 =	ssub.s32 $0x2, s6;
	s5 =	sshrl.u32 s9, $0x3  }
0x7: {  	s6 =	simm.s32 $0x100;
	s5 =	sadd.s32 s4, s5;
	s4 =	simm.s32 $0x2  }
0x8: {  	[tilespmem:s3], [sflag:$0x2] =	stream.linear.gather [hbm4b:s5+s3], $0x100, $0x38;
	[tilespmem:$0x2100] =	vst v63  }
0x9: {  	s7 =	simm.s32 $0x1;
	s11 =	sshrl.u32 s10, $0x1;
	_ =	swait.ge [sflag:s4], $0x100  }
0xa: {  	s9 =	sshll.u32 s9, $0x2;
	s31 =	ssub.s32 s10, s11;
	[sflag:s4] =	ssyncset.done $0x0  }
0xb: {  	s8 =	sadd.s32 s9, s8;
	s9 =	smax.u32 s31, $0x1;
	[sflag:s4] =	ssyncadd.s32 $0xFFFFFF00  }
0xc: {  	[tilespmem:s6], [sflag:$0x1] =	stream.indirect.gather [hbm4b:s1+s6], $0x20, s3, s6, $0xb8;
	[tilespmem:$0x2100] =	vst v63  }
0xd: {  	p0 =	sne.s32 s9, $0x1;
	_ =	swait.ge [sflag:s7], $0x2000  }
.Ltmp0:
0xe: {  	[sflag:s7] =	ssyncset.done $0x0;
	(pc) =	sbr.rel @!p0 .LBB2_2-.Ltmp0, $4  }
0xf: {  	s8 =	sadd.s32 $0x800, s8;
	[sflag:s7] =	ssyncadd.s32 $0xFFFFE000  }
0x10: {  	[hbm4b:s8+s3] =	stream.linear.scatter [tilespmem:s6], [sflag:$0x2], $0x2000, $0x38;
	[tilespmem:$0x2100] =	vst v63  }
0x11: {  	_ =	swait.ge [sflag:s4], $0x2000  }
0x12: {  	s9 =	sadd.s32 $0xFFFFFFFF, s9;
	[sflag:s4] =	ssyncset.done $0x0  }
.LBB2_1:
0x13: {  	p0 =	sne.s32 s9, $0x1;
	s9 =	sadd.s32 $0xFFFFFFFF, s9;
	[sflag:s4] =	ssyncadd.s32 $0xFFFFE000  }
0x14: {  	[tilespmem:s3], [sflag:$0x2] =	stream.linear.gather [hbm4b:s5+s3], $0x100, $0x38;
	[tilespmem:$0x2100] =	vst v63  }
0x15: {  	_ =	swait.ge [sflag:s4], $0x100  }
0x16: {  	[sflag:s4] =	ssyncset.done $0x0  }
0x17: {  	[sflag:s4] =	ssyncadd.s32 $0xFFFFFF00  }
0x18: {  	[tilespmem:s6], [sflag:$0x1] =	stream.indirect.gather [hbm4b:s1+s6], $0x20, s3, s6, $0xb8;
	[tilespmem:$0x2100] =	vst v63  }
0x19: {  	_ =	swait.ge [sflag:s7], $0x2000  }
.Ltmp1:
0x1a: {  	[sflag:s7] =	ssyncset.done $0x0;
	(pc) =	sbr.rel @p0 .LBB2_1-.Ltmp1, $4  }
0x1b: {  	[sflag:s7] =	ssyncadd.s32 $0xFFFFE000  }
0x1c: {  	[hbm4b:s8+s3] =	stream.linear.scatter [tilespmem:s6], [sflag:$0x2], $0x2000, $0x38;
	[tilespmem:$0x2100] =	vst v63  }
0x1d: {  	_ =	swait.ge [sflag:s4], $0x2000  }
0x1e: {  	[sflag:s4] =	ssyncset.done $0x0  }
.LBB2_2:
0x1f: {  	[sflag:s4] =	ssyncadd.s32 $0xFFFFE000  }
0x20: {  	_ =	sfence.sel $0x180000  }
0x21: {  	[bflag:$0x0] =	sbarrier.arrive $0xFFFF  }
0x22: {  	p0 =	sne.s32 s0, $0x0;
	_ =	strace $0x90000047  }
0x23: {  	s0 =	sadd.s32 @!p0 $0x100000, s2;
	[bflag:$0x2] =	sbarrier.arrive $0xFFFF  }
0x24: {  	[sflag:s0] =	ssyncadd.tile.s32 @!p0 $0x1;
	_ =	shalt  }
.Lfunc_end2:
_tile_overlayer_lowered:
.L_overlay_start_2:
0x25: {  	(tag) =	ssettag $0x2  }
0x26: {  	s0 =	rddreg [dreg:$0x0];
	s2 =	stileid.u32  }
0x27: {  	s1 =	rddreg [dreg:$0x1];
	p0 =	sne.s32 s2, $0x0  }
0x28: {  	s3 =	rddreg [dreg:$0x2];
	[bflag:$0x3] =	sbarrier.arrive $0xFFFF;
	s2 =	simm.s32 @!p0 $0x1C02  }
0x29: {  	[timem:s3], [sflag:s2] =	dma.local @!p0 [hbm:s0], s1  }
0x2a: {  	s0 =	simm.s32 @!p0 $0x2  }
0x2b: {  	_ =	swait.ge @!p0 [sflag:s0], s1  }
0x2c: {  	s1 =	ssub.s32 @!p0 $0x0, s1;
	[sflag:s0] =	ssyncset.done @!p0 $0x0  }
0x2d: {  	[sflag:s0] =	ssyncadd.s32 @!p0 s1  }
0x2e: {  	[bflag:$0x3] =	sbarrier.arrive $0xFFFF  }
0x2f: {  	_ =	shalt  }

</sc_bundles>
